<compile_context>
chip_gen: v7x
topology: tpu7x:2x2x1
jax: 0.10.2.dev20260603
libtpu: 0.0.44.dev20260713+nightly
codegen_flags: <defaults>
</compile_context>

<pallas_src>
import functools

import jax
import jax.numpy as jnp
from jax import lax
from jax.experimental import pallas as pl
from jax.experimental.pallas import tpu as pltpu
from jax.experimental.pallas import tpu_sc as plsc


def _sc_gather(table, idx3, n_rows):
    V, D = table.shape
    NW, n_ch, CH = idx3.shape
    per_w = n_ch * CH

    mesh = plsc.VectorSubcoreMesh(core_axis_name="c", subcore_axis_name="s")
    NBUF = 10

    @functools.partial(
        pl.kernel,
        mesh=mesh,
        compiler_params=pltpu.CompilerParams(use_tc_tiling_on_sc=False),
        out_type=jax.ShapeDtypeStruct((n_rows, D), jnp.float32),
        scratch_types=(
            [pltpu.VMEM((n_ch, CH), jnp.int32)]
            + [pltpu.VMEM((CH, D), jnp.float32) for _ in range(NBUF)]
            + [pltpu.SemaphoreType.DMA for _ in range(2 * NBUF)]
        ),
    )
    def k(table_hbm, idx_hbm, out_hbm, idx_v, *bufs_and_sems):
        rows = bufs_and_sems[:NBUF]
        gsem = bufs_and_sems[NBUF:2 * NBUF]
        wsem = bufs_and_sems[2 * NBUF:]
        wid = lax.axis_index("s") * 2 + lax.axis_index("c")
        base_row = wid * per_w

        pltpu.sync_copy(idx_hbm.at[wid], idx_v)

        for b in range(NBUF):
            pltpu.async_copy(table_hbm.at[idx_v.at[b]], rows[b], gsem[b])

        def body(i, _):
            for b in range(NBUF):
                j = i * NBUF + b
                pltpu.make_async_copy(
                    table_hbm.at[idx_v.at[0]], rows[b], gsem[b]
                ).wait()
                dst = out_hbm.at[pl.ds(base_row + j * CH, CH)]
                pltpu.async_copy(rows[b], dst, wsem[b])
                jn = j + NBUF

                @pl.when(jn < n_ch)
                def _():
                    pltpu.make_async_copy(rows[b], dst, wsem[b]).wait()
                    pltpu.async_copy(
                        table_hbm.at[idx_v.at[jn]], rows[b], gsem[b]
                    )
            return 0

        lax.fori_loop(0, n_ch // NBUF, body, 0)

        for b in range(NBUF):
            j = n_ch - NBUF + b
            pltpu.make_async_copy(
                rows[b], out_hbm.at[pl.ds(base_row + j * CH, CH)], wsem[b]
            ).wait()

    return k(table, idx3)


def _tc_loss(logits3, targets, n_rows):
    B, T, D = logits3.shape
    BB = 64
    G = B // BB

    def body(lg_ref, tg_ref, out_ref):
        @pl.when(pl.program_id(0) == 0)
        def _():
            out_ref[...] = jnp.zeros((1, 1), jnp.float32)

        lg = lg_ref[...]
        tg = tg_ref[...]
        m = jnp.max(lg, axis=2, keepdims=True)
        s = jnp.sum(jnp.exp(lg - m), axis=2)
        lse = jnp.log(s) + m[..., 0]
        col = lax.broadcasted_iota(jnp.int32, (BB, T, D), 2)
        tv = jnp.sum(jnp.where(col == tg[..., None], lg, 0.0), axis=2)
        out_ref[...] += jnp.sum(lse - tv).reshape(1, 1)

    loss_sum = pl.pallas_call(
        body,
        grid=(G,),
        in_specs=[
            pl.BlockSpec((BB, T, D), lambda i: (i, 0, 0)),
            pl.BlockSpec((BB, T), lambda i: (i, 0)),
        ],
        out_specs=pl.BlockSpec((1, 1), lambda i: (0, 0)),
        out_shape=jax.ShapeDtypeStruct((1, 1), jnp.float32),
    )(logits3, targets)
    return loss_sum[0, 0] / n_rows


def kernel(inputs, targets, table):
    B, T = inputs.shape
    V, D = table.shape
    N = B * T
    CH = 128
    NW = 32

    idx3 = inputs.reshape(NW, N // (NW * CH), CH)
    logits2 = _sc_gather(table, idx3, N)

    logits3 = logits2.reshape(B, T, D)
    loss = _tc_loss(logits3, targets, N)
    return logits3, loss

# --- scband reference (transcript-rebuilt; emitter-appended) ---
"""Pipeline reference for scband-embeddings-model-84842783965254 (READ-ONLY COPY).

The authoritative reference and input builder live on the scoring server;
editing this copy changes nothing except your own understanding.
"""

import jax, jax.numpy as jnp
import numpy as np

VOCAB = 1000000
DIM = 64
B, T = 1024, 200


def setup_inputs(seed: int = 0) -> dict:
    key = jax.random.key(seed)
    k1, k2, k3 = jax.random.split(key, 3)
    inputs = jax.random.randint(k1, (B, T), 0, VOCAB, dtype=jnp.int32)
    targets = jax.random.randint(k2, (B, T), 0, DIM, dtype=jnp.int32)
    # learned parameter: embedding table [vocab_size, embeddings_dim]
    table = jax.random.normal(k3, (VOCAB, DIM), dtype=jnp.float32)
    return {"inputs": inputs, "targets": targets, "table": table}


def reference(inputs, targets, table):
    # logits = self.embeddings(inputs)  -> gather rows from table
    logits = jnp.take(table, inputs, axis=0)  # [B, T, C]
    # loss = F.cross_entropy(logits.reshape(B*T, C), targets.reshape(B*T))
    log_probs = jax.nn.log_softmax(logits, axis=-1)
    nll = -jnp.take_along_axis(log_probs, targets[..., None], axis=-1).squeeze(-1)  # [B, T]
    loss = jnp.mean(nll)
    return (logits, loss)

if __name__ == "__main__":
    import jax
    _d = setup_inputs()
    print(jax.jit(kernel)(*tuple(_d.values())))

</pallas_src>

<mosaic_0001>
#map = affine_map<(d0, d1) -> (0, 0)>
#map1 = affine_map<(d0, d1) -> (0, 0, 0)>
module attributes {stable_mosaic.version = 14 : i64} {
  func.func @k(%arg0: i32, %arg1: i32, %arg2: memref<1000000x64xf32, #tpu.memory_space<hbm>>, %arg3: memref<32x50x128xi32, #tpu.memory_space<hbm>>, %arg4: memref<204800x64xf32, #tpu.memory_space<hbm>>, %arg5: memref<50x128xi32, #tpu.memory_space<vmem>>, %arg6: memref<128x64xf32, #tpu.memory_space<vmem>>, %arg7: memref<128x64xf32, #tpu.memory_space<vmem>>, %arg8: memref<128x64xf32, #tpu.memory_space<vmem>>, %arg9: memref<128x64xf32, #tpu.memory_space<vmem>>, %arg10: memref<128x64xf32, #tpu.memory_space<vmem>>, %arg11: memref<128x64xf32, #tpu.memory_space<vmem>>, %arg12: memref<128x64xf32, #tpu.memory_space<vmem>>, %arg13: memref<128x64xf32, #tpu.memory_space<vmem>>, %arg14: memref<128x64xf32, #tpu.memory_space<vmem>>, %arg15: memref<128x64xf32, #tpu.memory_space<vmem>>, %arg16: memref<!tpu.dma_semaphore, #tpu.memory_space<semaphore_mem>>, %arg17: memref<!tpu.dma_semaphore, #tpu.memory_space<semaphore_mem>>, %arg18: memref<!tpu.dma_semaphore, #tpu.memory_space<semaphore_mem>>, %arg19: memref<!tpu.dma_semaphore, #tpu.memory_space<semaphore_mem>>, %arg20: memref<!tpu.dma_semaphore, #tpu.memory_space<semaphore_mem>>, %arg21: memref<!tpu.dma_semaphore, #tpu.memory_space<semaphore_mem>>, %arg22: memref<!tpu.dma_semaphore, #tpu.memory_space<semaphore_mem>>, %arg23: memref<!tpu.dma_semaphore, #tpu.memory_space<semaphore_mem>>, %arg24: memref<!tpu.dma_semaphore, #tpu.memory_space<semaphore_mem>>, %arg25: memref<!tpu.dma_semaphore, #tpu.memory_space<semaphore_mem>>, %arg26: memref<!tpu.dma_semaphore, #tpu.memory_space<semaphore_mem>>, %arg27: memref<!tpu.dma_semaphore, #tpu.memory_space<semaphore_mem>>, %arg28: memref<!tpu.dma_semaphore, #tpu.memory_space<semaphore_mem>>, %arg29: memref<!tpu.dma_semaphore, #tpu.memory_space<semaphore_mem>>, %arg30: memref<!tpu.dma_semaphore, #tpu.memory_space<semaphore_mem>>, %arg31: memref<!tpu.dma_semaphore, #tpu.memory_space<semaphore_mem>>, %arg32: memref<!tpu.dma_semaphore, #tpu.memory_space<semaphore_mem>>, %arg33: memref<!tpu.dma_semaphore, #tpu.memory_space<semaphore_mem>>, %arg34: memref<!tpu.dma_semaphore, #tpu.memory_space<semaphore_mem>>, %arg35: memref<!tpu.dma_semaphore, #tpu.memory_space<semaphore_mem>>) attributes {dimension_semantics = [#tpu.dimension_semantics<core_parallel>, #tpu.dimension_semantics<subcore_parallel>], iteration_bounds = array<i64: 2, 16>, scalar_prefetch = 0 : i64, scratch_operands = 31 : i64, tpu.core_type = #tpu.core_type<sc_vector_subcore>, window_params = [{transform_indices = #map}, {transform_indices = #map1}, {transform_indices = #map}]} {
    %mul3A = arith.constant 2 : i32
    %mul3A_0 = arith.muli %arg1, %mul3A : i32
    %add3A = arith.addi %mul3A_0, %arg0 : i32
    %mul3A_1 = arith.constant 6400 : i32
    %mul3A_2 = arith.muli %add3A, %mul3A_1 : i32
    "tpu.region"() ({
      %run_scoped3A = tpu.sem_alloc : memref<!tpu.dma_semaphore, #tpu.memory_space<semaphore_mem>>
      %dma_start3A_137 = arith.constant 0 : i32
      %dma_start3A_138 = arith.constant 0 : i32
      %dma_start3A_139 = tpu.memref_slice %arg3[%add3A, %dma_start3A_137, %dma_start3A_138] : memref<32x50x128xi32, #tpu.memory_space<hbm>> -> memref<1x50x128xi32, #tpu.memory_space<hbm>>
      %dma_start3A_140 = tpu.memref_squeeze %dma_start3A_139 : memref<1x50x128xi32, #tpu.memory_space<hbm>> -> memref<50x128xi32, #tpu.memory_space<hbm>>
      %dma_start3A_141 = arith.constant 0 : i32
      %dma_start3A_142 = arith.constant 0 : i32
      %dma_start3A_143 = tpu.memref_slice %arg3[%add3A, %dma_start3A_141, %dma_start3A_142] : memref<32x50x128xi32, #tpu.memory_space<hbm>> -> memref<1x50x128xi32, #tpu.memory_space<hbm>>
      %dma_start3A_144 = tpu.memref_squeeze %dma_start3A_143 : memref<1x50x128xi32, #tpu.memory_space<hbm>> -> memref<50x128xi32, #tpu.memory_space<hbm>>
      tpu.enqueue_dma source(%dma_start3A_144 : memref<50x128xi32, #tpu.memory_space<hbm>>) target(%arg5 : memref<50x128xi32, #tpu.memory_space<vmem>>) target_semaphore(%run_scoped3A : memref<!tpu.dma_semaphore, #tpu.memory_space<semaphore_mem>>)
      %dma_wait3A_145 = arith.constant 0 : i32
      %dma_wait3A_146 = arith.constant 0 : i32
      %dma_wait3A_147 = tpu.memref_slice %arg3[%add3A, %dma_wait3A_145, %dma_wait3A_146] : memref<32x50x128xi32, #tpu.memory_space<hbm>> -> memref<1x50x128xi32, #tpu.memory_space<hbm>>
      %dma_wait3A_148 = tpu.memref_squeeze %dma_wait3A_147 : memref<1x50x128xi32, #tpu.memory_space<hbm>> -> memref<50x128xi32, #tpu.memory_space<hbm>>
      %dma_wait3A_149 = arith.constant 0 : i32
      %dma_wait3A_150 = arith.constant 0 : i32
      %dma_wait3A_151 = tpu.memref_slice %arg3[%add3A, %dma_wait3A_149, %dma_wait3A_150] : memref<32x50x128xi32, #tpu.memory_space<hbm>> -> memref<1x50x128xi32, #tpu.memory_space<hbm>>
      %dma_wait3A_152 = tpu.memref_squeeze %dma_wait3A_151 : memref<1x50x128xi32, #tpu.memory_space<hbm>> -> memref<50x128xi32, #tpu.memory_space<hbm>>
      tpu.wait_dma2 semaphore(%run_scoped3A : memref<!tpu.dma_semaphore, #tpu.memory_space<semaphore_mem>>) src(%dma_wait3A_152 : memref<50x128xi32, #tpu.memory_space<hbm>>) dst(%arg5 : memref<50x128xi32, #tpu.memory_space<vmem>>)
      tpu.yield
    }) : () -> ()
    %dma_start3A = arith.constant 0 : i32
    %dma_start3A_3 = arith.constant 0 : i32
    %dma_start3A_4 = tpu.memref_slice %arg5[%dma_start3A, %dma_start3A_3] : memref<50x128xi32, #tpu.memory_space<vmem>> -> memref<1x128xi32, #tpu.memory_space<vmem>>
    %dma_start3A_5 = tpu.memref_squeeze %dma_start3A_4 : memref<1x128xi32, #tpu.memory_space<vmem>> -> memref<128xi32, #tpu.memory_space<vmem>>
    %dma_start3A_6 = arith.constant 0 : i32
    %dma_start3A_7 = arith.constant 0 : i32
    %dma_start3A_8 = tpu.memref_slice %arg2[%dma_start3A_6, %dma_start3A_7] : memref<1000000x64xf32, #tpu.memory_space<hbm>> -> memref<1000000x64xf32, #tpu.memory_space<hbm>>
    tpu.enqueue_indirect_dma source(%dma_start3A_8 : memref<1000000x64xf32, #tpu.memory_space<hbm>>) target(%arg6 : memref<128x64xf32, #tpu.memory_space<vmem>>) offsets(%dma_start3A_5 : memref<128xi32, #tpu.memory_space<vmem>>) semaphore(%arg16 : memref<!tpu.dma_semaphore, #tpu.memory_space<semaphore_mem>>)
    %dma_start3A_9 = arith.constant 1 : i32
    %dma_start3A_10 = arith.constant 0 : i32
    %dma_start3A_11 = tpu.memref_slice %arg5[%dma_start3A_9, %dma_start3A_10] : memref<50x128xi32, #tpu.memory_space<vmem>> -> memref<1x128xi32, #tpu.memory_space<vmem>>
    %dma_start3A_12 = tpu.memref_squeeze %dma_start3A_11 : memref<1x128xi32, #tpu.memory_space<vmem>> -> memref<128xi32, #tpu.memory_space<vmem>>
    %dma_start3A_13 = arith.constant 0 : i32
    %dma_start3A_14 = arith.constant 0 : i32
    %dma_start3A_15 = tpu.memref_slice %arg2[%dma_start3A_13, %dma_start3A_14] : memref<1000000x64xf32, #tpu.memory_space<hbm>> -> memref<1000000x64xf32, #tpu.memory_space<hbm>>
    tpu.enqueue_indirect_dma source(%dma_start3A_15 : memref<1000000x64xf32, #tpu.memory_space<hbm>>) target(%arg7 : memref<128x64xf32, #tpu.memory_space<vmem>>) offsets(%dma_start3A_12 : memref<128xi32, #tpu.memory_space<vmem>>) semaphore(%arg17 : memref<!tpu.dma_semaphore, #tpu.memory_space<semaphore_mem>>)
    %dma_start3A_16 = arith.constant 2 : i32
    %dma_start3A_17 = arith.constant 0 : i32
    %dma_start3A_18 = tpu.memref_slice %arg5[%dma_start3A_16, %dma_start3A_17] : memref<50x128xi32, #tpu.memory_space<vmem>> -> memref<1x128xi32, #tpu.memory_space<vmem>>
    %dma_start3A_19 = tpu.memref_squeeze %dma_start3A_18 : memref<1x128xi32, #tpu.memory_space<vmem>> -> memref<128xi32, #tpu.memory_space<vmem>>
    %dma_start3A_20 = arith.constant 0 : i32
    %dma_start3A_21 = arith.constant 0 : i32
    %dma_start3A_22 = tpu.memref_slice %arg2[%dma_start3A_20, %dma_start3A_21] : memref<1000000x64xf32, #tpu.memory_space<hbm>> -> memref<1000000x64xf32, #tpu.memory_space<hbm>>
    tpu.enqueue_indirect_dma source(%dma_start3A_22 : memref<1000000x64xf32, #tpu.memory_space<hbm>>) target(%arg8 : memref<128x64xf32, #tpu.memory_space<vmem>>) offsets(%dma_start3A_19 : memref<128xi32, #tpu.memory_space<vmem>>) semaphore(%arg18 : memref<!tpu.dma_semaphore, #tpu.memory_space<semaphore_mem>>)
    %dma_start3A_23 = arith.constant 3 : i32
    %dma_start3A_24 = arith.constant 0 : i32
    %dma_start3A_25 = tpu.memref_slice %arg5[%dma_start3A_23, %dma_start3A_24] : memref<50x128xi32, #tpu.memory_space<vmem>> -> memref<1x128xi32, #tpu.memory_space<vmem>>
    %dma_start3A_26 = tpu.memref_squeeze %dma_start3A_25 : memref<1x128xi32, #tpu.memory_space<vmem>> -> memref<128xi32, #tpu.memory_space<vmem>>
    %dma_start3A_27 = arith.constant 0 : i32
    %dma_start3A_28 = arith.constant 0 : i32
    %dma_start3A_29 = tpu.memref_slice %arg2[%dma_start3A_27, %dma_start3A_28] : memref<1000000x64xf32, #tpu.memory_space<hbm>> -> memref<1000000x64xf32, #tpu.memory_space<hbm>>
    tpu.enqueue_indirect_dma source(%dma_start3A_29 : memref<1000000x64xf32, #tpu.memory_space<hbm>>) target(%arg9 : memref<128x64xf32, #tpu.memory_space<vmem>>) offsets(%dma_start3A_26 : memref<128xi32, #tpu.memory_space<vmem>>) semaphore(%arg19 : memref<!tpu.dma_semaphore, #tpu.memory_space<semaphore_mem>>)
    %dma_start3A_30 = arith.constant 4 : i32
    %dma_start3A_31 = arith.constant 0 : i32
    %dma_start3A_32 = tpu.memref_slice %arg5[%dma_start3A_30, %dma_start3A_31] : memref<50x128xi32, #tpu.memory_space<vmem>> -> memref<1x128xi32, #tpu.memory_space<vmem>>
    %dma_start3A_33 = tpu.memref_squeeze %dma_start3A_32 : memref<1x128xi32, #tpu.memory_space<vmem>> -> memref<128xi32, #tpu.memory_space<vmem>>
    %dma_start3A_34 = arith.constant 0 : i32
    %dma_start3A_35 = arith.constant 0 : i32
    %dma_start3A_36 = tpu.memref_slice %arg2[%dma_start3A_34, %dma_start3A_35] : memref<1000000x64xf32, #tpu.memory_space<hbm>> -> memref<1000000x64xf32, #tpu.memory_space<hbm>>
    tpu.enqueue_indirect_dma source(%dma_start3A_36 : memref<1000000x64xf32, #tpu.memory_space<hbm>>) target(%arg10 : memref<128x64xf32, #tpu.memory_space<vmem>>) offsets(%dma_start3A_33 : memref<128xi32, #tpu.memory_space<vmem>>) semaphore(%arg20 : memref<!tpu.dma_semaphore, #tpu.memory_space<semaphore_mem>>)
    %dma_start3A_37 = arith.constant 5 : i32
    %dma_start3A_38 = arith.constant 0 : i32
    %dma_start3A_39 = tpu.memref_slice %arg5[%dma_start3A_37, %dma_start3A_38] : memref<50x128xi32, #tpu.memory_space<vmem>> -> memref<1x128xi32, #tpu.memory_space<vmem>>
    %dma_start3A_40 = tpu.memref_squeeze %dma_start3A_39 : memref<1x128xi32, #tpu.memory_space<vmem>> -> memref<128xi32, #tpu.memory_space<vmem>>
    %dma_start3A_41 = arith.constant 0 : i32
    %dma_start3A_42 = arith.constant 0 : i32
    %dma_start3A_43 = tpu.memref_slice %arg2[%dma_start3A_41, %dma_start3A_42] : memref<1000000x64xf32, #tpu.memory_space<hbm>> -> memref<1000000x64xf32, #tpu.memory_space<hbm>>
    tpu.enqueue_indirect_dma source(%dma_start3A_43 : memref<1000000x64xf32, #tpu.memory_space<hbm>>) target(%arg11 : memref<128x64xf32, #tpu.memory_space<vmem>>) offsets(%dma_start3A_40 : memref<128xi32, #tpu.memory_space<vmem>>) semaphore(%arg21 : memref<!tpu.dma_semaphore, #tpu.memory_space<semaphore_mem>>)
    %dma_start3A_44 = arith.constant 6 : i32
    %dma_start3A_45 = arith.constant 0 : i32
    %dma_start3A_46 = tpu.memref_slice %arg5[%dma_start3A_44, %dma_start3A_45] : memref<50x128xi32, #tpu.memory_space<vmem>> -> memref<1x128xi32, #tpu.memory_space<vmem>>
    %dma_start3A_47 = tpu.memref_squeeze %dma_start3A_46 : memref<1x128xi32, #tpu.memory_space<vmem>> -> memref<128xi32, #tpu.memory_space<vmem>>
    %dma_start3A_48 = arith.constant 0 : i32
    %dma_start3A_49 = arith.constant 0 : i32
    %dma_start3A_50 = tpu.memref_slice %arg2[%dma_start3A_48, %dma_start3A_49] : memref<1000000x64xf32, #tpu.memory_space<hbm>> -> memref<1000000x64xf32, #tpu.memory_space<hbm>>
    tpu.enqueue_indirect_dma source(%dma_start3A_50 : memref<1000000x64xf32, #tpu.memory_space<hbm>>) target(%arg12 : memref<128x64xf32, #tpu.memory_space<vmem>>) offsets(%dma_start3A_47 : memref<128xi32, #tpu.memory_space<vmem>>) semaphore(%arg22 : memref<!tpu.dma_semaphore, #tpu.memory_space<semaphore_mem>>)
    %dma_start3A_51 = arith.constant 7 : i32
    %dma_start3A_52 = arith.constant 0 : i32
    %dma_start3A_53 = tpu.memref_slice %arg5[%dma_start3A_51, %dma_start3A_52] : memref<50x128xi32, #tpu.memory_space<vmem>> -> memref<1x128xi32, #tpu.memory_space<vmem>>
    %dma_start3A_54 = tpu.memref_squeeze %dma_start3A_53 : memref<1x128xi32, #tpu.memory_space<vmem>> -> memref<128xi32, #tpu.memory_space<vmem>>
    %dma_start3A_55 = arith.constant 0 : i32
    %dma_start3A_56 = arith.constant 0 : i32
    %dma_start3A_57 = tpu.memref_slice %arg2[%dma_start3A_55, %dma_start3A_56] : memref<1000000x64xf32, #tpu.memory_space<hbm>> -> memref<1000000x64xf32, #tpu.memory_space<hbm>>
    tpu.enqueue_indirect_dma source(%dma_start3A_57 : memref<1000000x64xf32, #tpu.memory_space<hbm>>) target(%arg13 : memref<128x64xf32, #tpu.memory_space<vmem>>) offsets(%dma_start3A_54 : memref<128xi32, #tpu.memory_space<vmem>>) semaphore(%arg23 : memref<!tpu.dma_semaphore, #tpu.memory_space<semaphore_mem>>)
    %dma_start3A_58 = arith.constant 8 : i32
    %dma_start3A_59 = arith.constant 0 : i32
    %dma_start3A_60 = tpu.memref_slice %arg5[%dma_start3A_58, %dma_start3A_59] : memref<50x128xi32, #tpu.memory_space<vmem>> -> memref<1x128xi32, #tpu.memory_space<vmem>>
    %dma_start3A_61 = tpu.memref_squeeze %dma_start3A_60 : memref<1x128xi32, #tpu.memory_space<vmem>> -> memref<128xi32, #tpu.memory_space<vmem>>
    %dma_start3A_62 = arith.constant 0 : i32
    %dma_start3A_63 = arith.constant 0 : i32
    %dma_start3A_64 = tpu.memref_slice %arg2[%dma_start3A_62, %dma_start3A_63] : memref<1000000x64xf32, #tpu.memory_space<hbm>> -> memref<1000000x64xf32, #tpu.memory_space<hbm>>
    tpu.enqueue_indirect_dma source(%dma_start3A_64 : memref<1000000x64xf32, #tpu.memory_space<hbm>>) target(%arg14 : memref<128x64xf32, #tpu.memory_space<vmem>>) offsets(%dma_start3A_61 : memref<128xi32, #tpu.memory_space<vmem>>) semaphore(%arg24 : memref<!tpu.dma_semaphore, #tpu.memory_space<semaphore_mem>>)
    %dma_start3A_65 = arith.constant 9 : i32
    %dma_start3A_66 = arith.constant 0 : i32
    %dma_start3A_67 = tpu.memref_slice %arg5[%dma_start3A_65, %dma_start3A_66] : memref<50x128xi32, #tpu.memory_space<vmem>> -> memref<1x128xi32, #tpu.memory_space<vmem>>
    %dma_start3A_68 = tpu.memref_squeeze %dma_start3A_67 : memref<1x128xi32, #tpu.memory_space<vmem>> -> memref<128xi32, #tpu.memory_space<vmem>>
    %dma_start3A_69 = arith.constant 0 : i32
    %dma_start3A_70 = arith.constant 0 : i32
    %dma_start3A_71 = tpu.memref_slice %arg2[%dma_start3A_69, %dma_start3A_70] : memref<1000000x64xf32, #tpu.memory_space<hbm>> -> memref<1000000x64xf32, #tpu.memory_space<hbm>>
    tpu.enqueue_indirect_dma source(%dma_start3A_71 : memref<1000000x64xf32, #tpu.memory_space<hbm>>) target(%arg15 : memref<128x64xf32, #tpu.memory_space<vmem>>) offsets(%dma_start3A_68 : memref<128xi32, #tpu.memory_space<vmem>>) semaphore(%arg25 : memref<!tpu.dma_semaphore, #tpu.memory_space<semaphore_mem>>)
    %scan3A = arith.constant 0 : i32
    %scan3A_72 = arith.constant 0 : i32
    %scan3A_73 = arith.constant 5 : i32
    %scan3A_74 = arith.addi %scan3A_72, %scan3A_73 : i32
    %scan3A_75 = arith.constant 1 : i32
    %scan3A_76 = scf.for %scan3A_137 = %scan3A_72 to %scan3A_74 step %scan3A_75 iter_args(%scan3A_138 = %scan3A) -> (i32)  : i32 {
      %mul3A_139 = arith.constant 10 : i32
      %mul3A_140 = arith.muli %scan3A_137, %mul3A_139 : i32
      %add3A_141 = arith.constant 0 : i32
      %add3A_142 = arith.addi %mul3A_140, %add3A_141 : i32
      %dma_wait3A_143 = arith.constant 0 : i32
      %dma_wait3A_144 = arith.constant 0 : i32
      %dma_wait3A_145 = tpu.memref_slice %arg5[%dma_wait3A_143, %dma_wait3A_144] : memref<50x128xi32, #tpu.memory_space<vmem>> -> memref<1x128xi32, #tpu.memory_space<vmem>>
      %dma_wait3A_146 = tpu.memref_squeeze %dma_wait3A_145 : memref<1x128xi32, #tpu.memory_space<vmem>> -> memref<128xi32, #tpu.memory_space<vmem>>
      %dma_wait3A_147 = arith.constant 0 : i32
      %dma_wait3A_148 = arith.constant 0 : i32
      %dma_wait3A_149 = tpu.memref_slice %arg2[%dma_wait3A_147, %dma_wait3A_148] : memref<1000000x64xf32, #tpu.memory_space<hbm>> -> memref<1000000x64xf32, #tpu.memory_space<hbm>>
      tpu.wait_indirect_dma semaphore(%arg16 : memref<!tpu.dma_semaphore, #tpu.memory_space<semaphore_mem>>) src(%dma_wait3A_149 : memref<1000000x64xf32, #tpu.memory_space<hbm>>) dst(%arg6 : memref<128x64xf32, #tpu.memory_space<vmem>>)
      %mul3A_150 = arith.constant 128 : i32
      %mul3A_151 = arith.muli %add3A_142, %mul3A_150 : i32
      %add3A_152 = arith.addi %mul3A_2, %mul3A_151 : i32
      %dma_start3A_153 = arith.constant 0 : i32
      %dma_start3A_154 = tpu.memref_slice %arg4[%add3A_152, %dma_start3A_153] : memref<204800x64xf32, #tpu.memory_space<hbm>> -> memref<128x64xf32, #tpu.memory_space<hbm>>
      %dma_start3A_155 = arith.constant 0 : i32
      %dma_start3A_156 = tpu.memref_slice %arg4[%add3A_152, %dma_start3A_155] : memref<204800x64xf32, #tpu.memory_space<hbm>> -> memref<128x64xf32, #tpu.memory_space<hbm>>
      tpu.enqueue_dma source(%arg6 : memref<128x64xf32, #tpu.memory_space<vmem>>) target(%dma_start3A_156 : memref<128x64xf32, #tpu.memory_space<hbm>>) target_semaphore(%arg26 : memref<!tpu.dma_semaphore, #tpu.memory_space<semaphore_mem>>)
      %add3A_157 = arith.constant 10 : i32
      %add3A_158 = arith.addi %add3A_142, %add3A_157 : i32
      %lt3A = arith.constant 50 : i32
      %lt3A_159 = arith.cmpi slt, %add3A_158, %lt3A : i32
      %convert_element_type3A = arith.extui %lt3A_159 : i1 to i32
      %cond3A = arith.constant 0 : i32
      %cond3A_160 = arith.cmpi ne, %convert_element_type3A, %cond3A : i32
      scf.if %cond3A_160 {
        %dma_wait3A_387 = arith.constant 0 : i32
        %dma_wait3A_388 = tpu.memref_slice %arg4[%add3A_152, %dma_wait3A_387] : memref<204800x64xf32, #tpu.memory_space<hbm>> -> memref<128x64xf32, #tpu.memory_space<hbm>>
        %dma_wait3A_389 = arith.constant 0 : i32
        %dma_wait3A_390 = tpu.memref_slice %arg4[%add3A_152, %dma_wait3A_389] : memref<204800x64xf32, #tpu.memory_space<hbm>> -> memref<128x64xf32, #tpu.memory_space<hbm>>
        tpu.wait_dma2 semaphore(%arg26 : memref<!tpu.dma_semaphore, #tpu.memory_space<semaphore_mem>>) src(%arg6 : memref<128x64xf32, #tpu.memory_space<vmem>>) dst(%dma_wait3A_390 : memref<128x64xf32, #tpu.memory_space<hbm>>)
        %dma_start3A_391 = arith.constant 0 : i32
        %dma_start3A_392 = tpu.memref_slice %arg5[%add3A_158, %dma_start3A_391] : memref<50x128xi32, #tpu.memory_space<vmem>> -> memref<1x128xi32, #tpu.memory_space<vmem>>
        %dma_start3A_393 = tpu.memref_squeeze %dma_start3A_392 : memref<1x128xi32, #tpu.memory_space<vmem>> -> memref<128xi32, #tpu.memory_space<vmem>>
        %dma_start3A_394 = arith.constant 0 : i32
        %dma_start3A_395 = arith.constant 0 : i32
        %dma_start3A_396 = tpu.memref_slice %arg2[%dma_start3A_394, %dma_start3A_395] : memref<1000000x64xf32, #tpu.memory_space<hbm>> -> memref<1000000x64xf32, #tpu.memory_space<hbm>>
        tpu.enqueue_indirect_dma source(%dma_start3A_396 : memref<1000000x64xf32, #tpu.memory_space<hbm>>) target(%arg6 : memref<128x64xf32, #tpu.memory_space<vmem>>) offsets(%dma_start3A_393 : memref<128xi32, #tpu.memory_space<vmem>>) semaphore(%arg16 : memref<!tpu.dma_semaphore, #tpu.memory_space<semaphore_mem>>)
      } else {
      }
      %mul3A_161 = arith.constant 10 : i32
      %mul3A_162 = arith.muli %scan3A_137, %mul3A_161 : i32
      %add3A_163 = arith.constant 1 : i32
      %add3A_164 = arith.addi %mul3A_162, %add3A_163 : i32
      %dma_wait3A_165 = arith.constant 0 : i32
      %dma_wait3A_166 = arith.constant 0 : i32
      %dma_wait3A_167 = tpu.memref_slice %arg5[%dma_wait3A_165, %dma_wait3A_166] : memref<50x128xi32, #tpu.memory_space<vmem>> -> memref<1x128xi32, #tpu.memory_space<vmem>>
      %dma_wait3A_168 = tpu.memref_squeeze %dma_wait3A_167 : memref<1x128xi32, #tpu.memory_space<vmem>> -> memref<128xi32, #tpu.memory_space<vmem>>
      %dma_wait3A_169 = arith.constant 0 : i32
      %dma_wait3A_170 = arith.constant 0 : i32
      %dma_wait3A_171 = tpu.memref_slice %arg2[%dma_wait3A_169, %dma_wait3A_170] : memref<1000000x64xf32, #tpu.memory_space<hbm>> -> memref<1000000x64xf32, #tpu.memory_space<hbm>>
      tpu.wait_indirect_dma semaphore(%arg17 : memref<!tpu.dma_semaphore, #tpu.memory_space<semaphore_mem>>) src(%dma_wait3A_171 : memref<1000000x64xf32, #tpu.memory_space<hbm>>) dst(%arg7 : memref<128x64xf32, #tpu.memory_space<vmem>>)
      %mul3A_172 = arith.constant 128 : i32
      %mul3A_173 = arith.muli %add3A_164, %mul3A_172 : i32
      %add3A_174 = arith.addi %mul3A_2, %mul3A_173 : i32
      %dma_start3A_175 = arith.constant 0 : i32
      %dma_start3A_176 = tpu.memref_slice %arg4[%add3A_174, %dma_start3A_175] : memref<204800x64xf32, #tpu.memory_space<hbm>> -> memref<128x64xf32, #tpu.memory_space<hbm>>
      %dma_start3A_177 = arith.constant 0 : i32
      %dma_start3A_178 = tpu.memref_slice %arg4[%add3A_174, %dma_start3A_177] : memref<204800x64xf32, #tpu.memory_space<hbm>> -> memref<128x64xf32, #tpu.memory_space<hbm>>
      tpu.enqueue_dma source(%arg7 : memref<128x64xf32, #tpu.memory_space<vmem>>) target(%dma_start3A_178 : memref<128x64xf32, #tpu.memory_space<hbm>>) target_semaphore(%arg27 : memref<!tpu.dma_semaphore, #tpu.memory_space<semaphore_mem>>)
      %add3A_179 = arith.constant 10 : i32
      %add3A_180 = arith.addi %add3A_164, %add3A_179 : i32
      %lt3A_181 = arith.constant 50 : i32
      %lt3A_182 = arith.cmpi slt, %add3A_180, %lt3A_181 : i32
      %convert_element_type3A_183 = arith.extui %lt3A_182 : i1 to i32
      %cond3A_184 = arith.constant 0 : i32
      %cond3A_185 = arith.cmpi ne, %convert_element_type3A_183, %cond3A_184 : i32
      scf.if %cond3A_185 {
        %dma_wait3A_387 = arith.constant 0 : i32
        %dma_wait3A_388 = tpu.memref_slice %arg4[%add3A_174, %dma_wait3A_387] : memref<204800x64xf32, #tpu.memory_space<hbm>> -> memref<128x64xf32, #tpu.memory_space<hbm>>
        %dma_wait3A_389 = arith.constant 0 : i32
        %dma_wait3A_390 = tpu.memref_slice %arg4[%add3A_174, %dma_wait3A_389] : memref<204800x64xf32, #tpu.memory_space<hbm>> -> memref<128x64xf32, #tpu.memory_space<hbm>>
        tpu.wait_dma2 semaphore(%arg27 : memref<!tpu.dma_semaphore, #tpu.memory_space<semaphore_mem>>) src(%arg7 : memref<128x64xf32, #tpu.memory_space<vmem>>) dst(%dma_wait3A_390 : memref<128x64xf32, #tpu.memory_space<hbm>>)
        %dma_start3A_391 = arith.constant 0 : i32
        %dma_start3A_392 = tpu.memref_slice %arg5[%add3A_180, %dma_start3A_391] : memref<50x128xi32, #tpu.memory_space<vmem>> -> memref<1x128xi32, #tpu.memory_space<vmem>>
        %dma_start3A_393 = tpu.memref_squeeze %dma_start3A_392 : memref<1x128xi32, #tpu.memory_space<vmem>> -> memref<128xi32, #tpu.memory_space<vmem>>
        %dma_start3A_394 = arith.constant 0 : i32
        %dma_start3A_395 = arith.constant 0 : i32
        %dma_start3A_396 = tpu.memref_slice %arg2[%dma_start3A_394, %dma_start3A_395] : memref<1000000x64xf32, #tpu.memory_space<hbm>> -> memref<1000000x64xf32, #tpu.memory_space<hbm>>
        tpu.enqueue_indirect_dma source(%dma_start3A_396 : memref<1000000x64xf32, #tpu.memory_space<hbm>>) target(%arg7 : memref<128x64xf32, #tpu.memory_space<vmem>>) offsets(%dma_start3A_393 : memref<128xi32, #tpu.memory_space<vmem>>) semaphore(%arg17 : memref<!tpu.dma_semaphore, #tpu.memory_space<semaphore_mem>>)
      } else {
      }
      %mul3A_186 = arith.constant 10 : i32
      %mul3A_187 = arith.muli %scan3A_137, %mul3A_186 : i32
      %add3A_188 = arith.constant 2 : i32
      %add3A_189 = arith.addi %mul3A_187, %add3A_188 : i32
      %dma_wait3A_190 = arith.constant 0 : i32
      %dma_wait3A_191 = arith.constant 0 : i32
      %dma_wait3A_192 = tpu.memref_slice %arg5[%dma_wait3A_190, %dma_wait3A_191] : memref<50x128xi32, #tpu.memory_space<vmem>> -> memref<1x128xi32, #tpu.memory_space<vmem>>
      %dma_wait3A_193 = tpu.memref_squeeze %dma_wait3A_192 : memref<1x128xi32, #tpu.memory_space<vmem>> -> memref<128xi32, #tpu.memory_space<vmem>>
      %dma_wait3A_194 = arith.constant 0 : i32
      %dma_wait3A_195 = arith.constant 0 : i32
      %dma_wait3A_196 = tpu.memref_slice %arg2[%dma_wait3A_194, %dma_wait3A_195] : memref<1000000x64xf32, #tpu.memory_space<hbm>> -> memref<1000000x64xf32, #tpu.memory_space<hbm>>
      tpu.wait_indirect_dma semaphore(%arg18 : memref<!tpu.dma_semaphore, #tpu.memory_space<semaphore_mem>>) src(%dma_wait3A_196 : memref<1000000x64xf32, #tpu.memory_space<hbm>>) dst(%arg8 : memref<128x64xf32, #tpu.memory_space<vmem>>)
      %mul3A_197 = arith.constant 128 : i32
      %mul3A_198 = arith.muli %add3A_189, %mul3A_197 : i32
      %add3A_199 = arith.addi %mul3A_2, %mul3A_198 : i32
      %dma_start3A_200 = arith.constant 0 : i32
      %dma_start3A_201 = tpu.memref_slice %arg4[%add3A_199, %dma_start3A_200] : memref<204800x64xf32, #tpu.memory_space<hbm>> -> memref<128x64xf32, #tpu.memory_space<hbm>>
      %dma_start3A_202 = arith.constant 0 : i32
      %dma_start3A_203 = tpu.memref_slice %arg4[%add3A_199, %dma_start3A_202] : memref<204800x64xf32, #tpu.memory_space<hbm>> -> memref<128x64xf32, #tpu.memory_space<hbm>>
      tpu.enqueue_dma source(%arg8 : memref<128x64xf32, #tpu.memory_space<vmem>>) target(%dma_start3A_203 : memref<128x64xf32, #tpu.memory_space<hbm>>) target_semaphore(%arg28 : memref<!tpu.dma_semaphore, #tpu.memory_space<semaphore_mem>>)
      %add3A_204 = arith.constant 10 : i32
      %add3A_205 = arith.addi %add3A_189, %add3A_204 : i32
      %lt3A_206 = arith.constant 50 : i32
      %lt3A_207 = arith.cmpi slt, %add3A_205, %lt3A_206 : i32
      %convert_element_type3A_208 = arith.extui %lt3A_207 : i1 to i32
      %cond3A_209 = arith.constant 0 : i32
      %cond3A_210 = arith.cmpi ne, %convert_element_type3A_208, %cond3A_209 : i32
      scf.if %cond3A_210 {
        %dma_wait3A_387 = arith.constant 0 : i32
        %dma_wait3A_388 = tpu.memref_slice %arg4[%add3A_199, %dma_wait3A_387] : memref<204800x64xf32, #tpu.memory_space<hbm>> -> memref<128x64xf32, #tpu.memory_space<hbm>>
        %dma_wait3A_389 = arith.constant 0 : i32
        %dma_wait3A_390 = tpu.memref_slice %arg4[%add3A_199, %dma_wait3A_389] : memref<204800x64xf32, #tpu.memory_space<hbm>> -> memref<128x64xf32, #tpu.memory_space<hbm>>
        tpu.wait_dma2 semaphore(%arg28 : memref<!tpu.dma_semaphore, #tpu.memory_space<semaphore_mem>>) src(%arg8 : memref<128x64xf32, #tpu.memory_space<vmem>>) dst(%dma_wait3A_390 : memref<128x64xf32, #tpu.memory_space<hbm>>)
        %dma_start3A_391 = arith.constant 0 : i32
        %dma_start3A_392 = tpu.memref_slice %arg5[%add3A_205, %dma_start3A_391] : memref<50x128xi32, #tpu.memory_space<vmem>> -> memref<1x128xi32, #tpu.memory_space<vmem>>
        %dma_start3A_393 = tpu.memref_squeeze %dma_start3A_392 : memref<1x128xi32, #tpu.memory_space<vmem>> -> memref<128xi32, #tpu.memory_space<vmem>>
        %dma_start3A_394 = arith.constant 0 : i32
        %dma_start3A_395 = arith.constant 0 : i32
        %dma_start3A_396 = tpu.memref_slice %arg2[%dma_start3A_394, %dma_start3A_395] : memref<1000000x64xf32, #tpu.memory_space<hbm>> -> memref<1000000x64xf32, #tpu.memory_space<hbm>>
        tpu.enqueue_indirect_dma source(%dma_start3A_396 : memref<1000000x64xf32, #tpu.memory_space<hbm>>) target(%arg8 : memref<128x64xf32, #tpu.memory_space<vmem>>) offsets(%dma_start3A_393 : memref<128xi32, #tpu.memory_space<vmem>>) semaphore(%arg18 : memref<!tpu.dma_semaphore, #tpu.memory_space<semaphore_mem>>)
      } else {
      }
      %mul3A_211 = arith.constant 10 : i32
      %mul3A_212 = arith.muli %scan3A_137, %mul3A_211 : i32
      %add3A_213 = arith.constant 3 : i32
      %add3A_214 = arith.addi %mul3A_212, %add3A_213 : i32
      %dma_wait3A_215 = arith.constant 0 : i32
      %dma_wait3A_216 = arith.constant 0 : i32
      %dma_wait3A_217 = tpu.memref_slice %arg5[%dma_wait3A_215, %dma_wait3A_216] : memref<50x128xi32, #tpu.memory_space<vmem>> -> memref<1x128xi32, #tpu.memory_space<vmem>>
      %dma_wait3A_218 = tpu.memref_squeeze %dma_wait3A_217 : memref<1x128xi32, #tpu.memory_space<vmem>> -> memref<128xi32, #tpu.memory_space<vmem>>
      %dma_wait3A_219 = arith.constant 0 : i32
      %dma_wait3A_220 = arith.constant 0 : i32
      %dma_wait3A_221 = tpu.memref_slice %arg2[%dma_wait3A_219, %dma_wait3A_220] : memref<1000000x64xf32, #tpu.memory_space<hbm>> -> memref<1000000x64xf32, #tpu.memory_space<hbm>>
      tpu.wait_indirect_dma semaphore(%arg19 : memref<!tpu.dma_semaphore, #tpu.memory_space<semaphore_mem>>) src(%dma_wait3A_221 : memref<1000000x64xf32, #tpu.memory_space<hbm>>) dst(%arg9 : memref<128x64xf32, #tpu.memory_space<vmem>>)
      %mul3A_222 = arith.constant 128 : i32
      %mul3A_223 = arith.muli %add3A_214, %mul3A_222 : i32
      %add3A_224 = arith.addi %mul3A_2, %mul3A_223 : i32
      %dma_start3A_225 = arith.constant 0 : i32
      %dma_start3A_226 = tpu.memref_slice %arg4[%add3A_224, %dma_start3A_225] : memref<204800x64xf32, #tpu.memory_space<hbm>> -> memref<128x64xf32, #tpu.memory_space<hbm>>
      %dma_start3A_227 = arith.constant 0 : i32
      %dma_start3A_228 = tpu.memref_slice %arg4[%add3A_224, %dma_start3A_227] : memref<204800x64xf32, #tpu.memory_space<hbm>> -> memref<128x64xf32, #tpu.memory_space<hbm>>
      tpu.enqueue_dma source(%arg9 : memref<128x64xf32, #tpu.memory_space<vmem>>) target(%dma_start3A_228 : memref<128x64xf32, #tpu.memory_space<hbm>>) target_semaphore(%arg29 : memref<!tpu.dma_semaphore, #tpu.memory_space<semaphore_mem>>)
      %add3A_229 = arith.constant 10 : i32
      %add3A_230 = arith.addi %add3A_214, %add3A_229 : i32
      %lt3A_231 = arith.constant 50 : i32
      %lt3A_232 = arith.cmpi slt, %add3A_230, %lt3A_231 : i32
      %convert_element_type3A_233 = arith.extui %lt3A_232 : i1 to i32
      %cond3A_234 = arith.constant 0 : i32
      %cond3A_235 = arith.cmpi ne, %convert_element_type3A_233, %cond3A_234 : i32
      scf.if %cond3A_235 {
        %dma_wait3A_387 = arith.constant 0 : i32
        %dma_wait3A_388 = tpu.memref_slice %arg4[%add3A_224, %dma_wait3A_387] : memref<204800x64xf32, #tpu.memory_space<hbm>> -> memref<128x64xf32, #tpu.memory_space<hbm>>
        %dma_wait3A_389 = arith.constant 0 : i32
        %dma_wait3A_390 = tpu.memref_slice %arg4[%add3A_224, %dma_wait3A_389] : memref<204800x64xf32, #tpu.memory_space<hbm>> -> memref<128x64xf32, #tpu.memory_space<hbm>>
        tpu.wait_dma2 semaphore(%arg29 : memref<!tpu.dma_semaphore, #tpu.memory_space<semaphore_mem>>) src(%arg9 : memref<128x64xf32, #tpu.memory_space<vmem>>) dst(%dma_wait3A_390 : memref<128x64xf32, #tpu.memory_space<hbm>>)
        %dma_start3A_391 = arith.constant 0 : i32
        %dma_start3A_392 = tpu.memref_slice %arg5[%add3A_230, %dma_start3A_391] : memref<50x128xi32, #tpu.memory_space<vmem>> -> memref<1x128xi32, #tpu.memory_space<vmem>>
        %dma_start3A_393 = tpu.memref_squeeze %dma_start3A_392 : memref<1x128xi32, #tpu.memory_space<vmem>> -> memref<128xi32, #tpu.memory_space<vmem>>
        %dma_start3A_394 = arith.constant 0 : i32
        %dma_start3A_395 = arith.constant 0 : i32
        %dma_start3A_396 = tpu.memref_slice %arg2[%dma_start3A_394, %dma_start3A_395] : memref<1000000x64xf32, #tpu.memory_space<hbm>> -> memref<1000000x64xf32, #tpu.memory_space<hbm>>
        tpu.enqueue_indirect_dma source(%dma_start3A_396 : memref<1000000x64xf32, #tpu.memory_space<hbm>>) target(%arg9 : memref<128x64xf32, #tpu.memory_space<vmem>>) offsets(%dma_start3A_393 : memref<128xi32, #tpu.memory_space<vmem>>) semaphore(%arg19 : memref<!tpu.dma_semaphore, #tpu.memory_space<semaphore_mem>>)
      } else {
      }
      %mul3A_236 = arith.constant 10 : i32
      %mul3A_237 = arith.muli %scan3A_137, %mul3A_236 : i32
      %add3A_238 = arith.constant 4 : i32
      %add3A_239 = arith.addi %mul3A_237, %add3A_238 : i32
      %dma_wait3A_240 = arith.constant 0 : i32
      %dma_wait3A_241 = arith.constant 0 : i32
      %dma_wait3A_242 = tpu.memref_slice %arg5[%dma_wait3A_240, %dma_wait3A_241] : memref<50x128xi32, #tpu.memory_space<vmem>> -> memref<1x128xi32, #tpu.memory_space<vmem>>
      %dma_wait3A_243 = tpu.memref_squeeze %dma_wait3A_242 : memref<1x128xi32, #tpu.memory_space<vmem>> -> memref<128xi32, #tpu.memory_space<vmem>>
      %dma_wait3A_244 = arith.constant 0 : i32
      %dma_wait3A_245 = arith.constant 0 : i32
      %dma_wait3A_246 = tpu.memref_slice %arg2[%dma_wait3A_244, %dma_wait3A_245] : memref<1000000x64xf32, #tpu.memory_space<hbm>> -> memref<1000000x64xf32, #tpu.memory_space<hbm>>
      tpu.wait_indirect_dma semaphore(%arg20 : memref<!tpu.dma_semaphore, #tpu.memory_space<semaphore_mem>>) src(%dma_wait3A_246 : memref<1000000x64xf32, #tpu.memory_space<hbm>>) dst(%arg10 : memref<128x64xf32, #tpu.memory_space<vmem>>)
      %mul3A_247 = arith.constant 128 : i32
      %mul3A_248 = arith.muli %add3A_239, %mul3A_247 : i32
      %add3A_249 = arith.addi %mul3A_2, %mul3A_248 : i32
      %dma_start3A_250 = arith.constant 0 : i32
      %dma_start3A_251 = tpu.memref_slice %arg4[%add3A_249, %dma_start3A_250] : memref<204800x64xf32, #tpu.memory_space<hbm>> -> memref<128x64xf32, #tpu.memory_space<hbm>>
      %dma_start3A_252 = arith.constant 0 : i32
      %dma_start3A_253 = tpu.memref_slice %arg4[%add3A_249, %dma_start3A_252] : memref<204800x64xf32, #tpu.memory_space<hbm>> -> memref<128x64xf32, #tpu.memory_space<hbm>>
      tpu.enqueue_dma source(%arg10 : memref<128x64xf32, #tpu.memory_space<vmem>>) target(%dma_start3A_253 : memref<128x64xf32, #tpu.memory_space<hbm>>) target_semaphore(%arg30 : memref<!tpu.dma_semaphore, #tpu.memory_space<semaphore_mem>>)
      %add3A_254 = arith.constant 10 : i32
      %add3A_255 = arith.addi %add3A_239, %add3A_254 : i32
      %lt3A_256 = arith.constant 50 : i32
      %lt3A_257 = arith.cmpi slt, %add3A_255, %lt3A_256 : i32
      %convert_element_type3A_258 = arith.extui %lt3A_257 : i1 to i32
      %cond3A_259 = arith.constant 0 : i32
      %cond3A_260 = arith.cmpi ne, %convert_element_type3A_258, %cond3A_259 : i32
      scf.if %cond3A_260 {
        %dma_wait3A_387 = arith.constant 0 : i32
        %dma_wait3A_388 = tpu.memref_slice %arg4[%add3A_249, %dma_wait3A_387] : memref<204800x64xf32, #tpu.memory_space<hbm>> -> memref<128x64xf32, #tpu.memory_space<hbm>>
        %dma_wait3A_389 = arith.constant 0 : i32
        %dma_wait3A_390 = tpu.memref_slice %arg4[%add3A_249, %dma_wait3A_389] : memref<204800x64xf32, #tpu.memory_space<hbm>> -> memref<128x64xf32, #tpu.memory_space<hbm>>
        tpu.wait_dma2 semaphore(%arg30 : memref<!tpu.dma_semaphore, #tpu.memory_space<semaphore_mem>>) src(%arg10 : memref<128x64xf32, #tpu.memory_space<vmem>>) dst(%dma_wait3A_390 : memref<128x64xf32, #tpu.memory_space<hbm>>)
        %dma_start3A_391 = arith.constant 0 : i32
        %dma_start3A_392 = tpu.memref_slice %arg5[%add3A_255, %dma_start3A_391] : memref<50x128xi32, #tpu.memory_space<vmem>> -> memref<1x128xi32, #tpu.memory_space<vmem>>
        %dma_start3A_393 = tpu.memref_squeeze %dma_start3A_392 : memref<1x128xi32, #tpu.memory_space<vmem>> -> memref<128xi32, #tpu.memory_space<vmem>>
        %dma_start3A_394 = arith.constant 0 : i32
        %dma_start3A_395 = arith.constant 0 : i32
        %dma_start3A_396 = tpu.memref_slice %arg2[%dma_start3A_394, %dma_start3A_395] : memref<1000000x64xf32, #tpu.memory_space<hbm>> -> memref<1000000x64xf32, #tpu.memory_space<hbm>>
        tpu.enqueue_indirect_dma source(%dma_start3A_396 : memref<1000000x64xf32, #tpu.memory_space<hbm>>) target(%arg10 : memref<128x64xf32, #tpu.memory_space<vmem>>) offsets(%dma_start3A_393 : memref<128xi32, #tpu.memory_space<vmem>>) semaphore(%arg20 : memref<!tpu.dma_semaphore, #tpu.memory_space<semaphore_mem>>)
      } else {
      }
      %mul3A_261 = arith.constant 10 : i32
      %mul3A_262 = arith.muli %scan3A_137, %mul3A_261 : i32
      %add3A_263 = arith.constant 5 : i32
      %add3A_264 = arith.addi %mul3A_262, %add3A_263 : i32
      %dma_wait3A_265 = arith.constant 0 : i32
      %dma_wait3A_266 = arith.constant 0 : i32
      %dma_wait3A_267 = tpu.memref_slice %arg5[%dma_wait3A_265, %dma_wait3A_266] : memref<50x128xi32, #tpu.memory_space<vmem>> -> memref<1x128xi32, #tpu.memory_space<vmem>>
      %dma_wait3A_268 = tpu.memref_squeeze %dma_wait3A_267 : memref<1x128xi32, #tpu.memory_space<vmem>> -> memref<128xi32, #tpu.memory_space<vmem>>
      %dma_wait3A_269 = arith.constant 0 : i32
      %dma_wait3A_270 = arith.constant 0 : i32
      %dma_wait3A_271 = tpu.memref_slice %arg2[%dma_wait3A_269, %dma_wait3A_270] : memref<1000000x64xf32, #tpu.memory_space<hbm>> -> memref<1000000x64xf32, #tpu.memory_space<hbm>>
      tpu.wait_indirect_dma semaphore(%arg21 : memref<!tpu.dma_semaphore, #tpu.memory_space<semaphore_mem>>) src(%dma_wait3A_271 : memref<1000000x64xf32, #tpu.memory_space<hbm>>) dst(%arg11 : memref<128x64xf32, #tpu.memory_space<vmem>>)
      %mul3A_272 = arith.constant 128 : i32
      %mul3A_273 = arith.muli %add3A_264, %mul3A_272 : i32
      %add3A_274 = arith.addi %mul3A_2, %mul3A_273 : i32
      %dma_start3A_275 = arith.constant 0 : i32
      %dma_start3A_276 = tpu.memref_slice %arg4[%add3A_274, %dma_start3A_275] : memref<204800x64xf32, #tpu.memory_space<hbm>> -> memref<128x64xf32, #tpu.memory_space<hbm>>
      %dma_start3A_277 = arith.constant 0 : i32
      %dma_start3A_278 = tpu.memref_slice %arg4[%add3A_274, %dma_start3A_277] : memref<204800x64xf32, #tpu.memory_space<hbm>> -> memref<128x64xf32, #tpu.memory_space<hbm>>
      tpu.enqueue_dma source(%arg11 : memref<128x64xf32, #tpu.memory_space<vmem>>) target(%dma_start3A_278 : memref<128x64xf32, #tpu.memory_space<hbm>>) target_semaphore(%arg31 : memref<!tpu.dma_semaphore, #tpu.memory_space<semaphore_mem>>)
      %add3A_279 = arith.constant 10 : i32
      %add3A_280 = arith.addi %add3A_264, %add3A_279 : i32
      %lt3A_281 = arith.constant 50 : i32
      %lt3A_282 = arith.cmpi slt, %add3A_280, %lt3A_281 : i32
      %convert_element_type3A_283 = arith.extui %lt3A_282 : i1 to i32
      %cond3A_284 = arith.constant 0 : i32
      %cond3A_285 = arith.cmpi ne, %convert_element_type3A_283, %cond3A_284 : i32
      scf.if %cond3A_285 {
        %dma_wait3A_387 = arith.constant 0 : i32
        %dma_wait3A_388 = tpu.memref_slice %arg4[%add3A_274, %dma_wait3A_387] : memref<204800x64xf32, #tpu.memory_space<hbm>> -> memref<128x64xf32, #tpu.memory_space<hbm>>
        %dma_wait3A_389 = arith.constant 0 : i32
        %dma_wait3A_390 = tpu.memref_slice %arg4[%add3A_274, %dma_wait3A_389] : memref<204800x64xf32, #tpu.memory_space<hbm>> -> memref<128x64xf32, #tpu.memory_space<hbm>>
        tpu.wait_dma2 semaphore(%arg31 : memref<!tpu.dma_semaphore, #tpu.memory_space<semaphore_mem>>) src(%arg11 : memref<128x64xf32, #tpu.memory_space<vmem>>) dst(%dma_wait3A_390 : memref<128x64xf32, #tpu.memory_space<hbm>>)
        %dma_start3A_391 = arith.constant 0 : i32
        %dma_start3A_392 = tpu.memref_slice %arg5[%add3A_280, %dma_start3A_391] : memref<50x128xi32, #tpu.memory_space<vmem>> -> memref<1x128xi32, #tpu.memory_space<vmem>>
        %dma_start3A_393 = tpu.memref_squeeze %dma_start3A_392 : memref<1x128xi32, #tpu.memory_space<vmem>> -> memref<128xi32, #tpu.memory_space<vmem>>
        %dma_start3A_394 = arith.constant 0 : i32
        %dma_start3A_395 = arith.constant 0 : i32
        %dma_start3A_396 = tpu.memref_slice %arg2[%dma_start3A_394, %dma_start3A_395] : memref<1000000x64xf32, #tpu.memory_space<hbm>> -> memref<1000000x64xf32, #tpu.memory_space<hbm>>
        tpu.enqueue_indirect_dma source(%dma_start3A_396 : memref<1000000x64xf32, #tpu.memory_space<hbm>>) target(%arg11 : memref<128x64xf32, #tpu.memory_space<vmem>>) offsets(%dma_start3A_393 : memref<128xi32, #tpu.memory_space<vmem>>) semaphore(%arg21 : memref<!tpu.dma_semaphore, #tpu.memory_space<semaphore_mem>>)
      } else {
      }
      %mul3A_286 = arith.constant 10 : i32
      %mul3A_287 = arith.muli %scan3A_137, %mul3A_286 : i32
      %add3A_288 = arith.constant 6 : i32
      %add3A_289 = arith.addi %mul3A_287, %add3A_288 : i32
      %dma_wait3A_290 = arith.constant 0 : i32
      %dma_wait3A_291 = arith.constant 0 : i32
      %dma_wait3A_292 = tpu.memref_slice %arg5[%dma_wait3A_290, %dma_wait3A_291] : memref<50x128xi32, #tpu.memory_space<vmem>> -> memref<1x128xi32, #tpu.memory_space<vmem>>
      %dma_wait3A_293 = tpu.memref_squeeze %dma_wait3A_292 : memref<1x128xi32, #tpu.memory_space<vmem>> -> memref<128xi32, #tpu.memory_space<vmem>>
      %dma_wait3A_294 = arith.constant 0 : i32
      %dma_wait3A_295 = arith.constant 0 : i32
      %dma_wait3A_296 = tpu.memref_slice %arg2[%dma_wait3A_294, %dma_wait3A_295] : memref<1000000x64xf32, #tpu.memory_space<hbm>> -> memref<1000000x64xf32, #tpu.memory_space<hbm>>
      tpu.wait_indirect_dma semaphore(%arg22 : memref<!tpu.dma_semaphore, #tpu.memory_space<semaphore_mem>>) src(%dma_wait3A_296 : memref<1000000x64xf32, #tpu.memory_space<hbm>>) dst(%arg12 : memref<128x64xf32, #tpu.memory_space<vmem>>)
      %mul3A_297 = arith.constant 128 : i32
      %mul3A_298 = arith.muli %add3A_289, %mul3A_297 : i32
      %add3A_299 = arith.addi %mul3A_2, %mul3A_298 : i32
      %dma_start3A_300 = arith.constant 0 : i32
      %dma_start3A_301 = tpu.memref_slice %arg4[%add3A_299, %dma_start3A_300] : memref<204800x64xf32, #tpu.memory_space<hbm>> -> memref<128x64xf32, #tpu.memory_space<hbm>>
      %dma_start3A_302 = arith.constant 0 : i32
      %dma_start3A_303 = tpu.memref_slice %arg4[%add3A_299, %dma_start3A_302] : memref<204800x64xf32, #tpu.memory_space<hbm>> -> memref<128x64xf32, #tpu.memory_space<hbm>>
      tpu.enqueue_dma source(%arg12 : memref<128x64xf32, #tpu.memory_space<vmem>>) target(%dma_start3A_303 : memref<128x64xf32, #tpu.memory_space<hbm>>) target_semaphore(%arg32 : memref<!tpu.dma_semaphore, #tpu.memory_space<semaphore_mem>>)
      %add3A_304 = arith.constant 10 : i32
      %add3A_305 = arith.addi %add3A_289, %add3A_304 : i32
      %lt3A_306 = arith.constant 50 : i32
      %lt3A_307 = arith.cmpi slt, %add3A_305, %lt3A_306 : i32
      %convert_element_type3A_308 = arith.extui %lt3A_307 : i1 to i32
      %cond3A_309 = arith.constant 0 : i32
      %cond3A_310 = arith.cmpi ne, %convert_element_type3A_308, %cond3A_309 : i32
      scf.if %cond3A_310 {
        %dma_wait3A_387 = arith.constant 0 : i32
        %dma_wait3A_388 = tpu.memref_slice %arg4[%add3A_299, %dma_wait3A_387] : memref<204800x64xf32, #tpu.memory_space<hbm>> -> memref<128x64xf32, #tpu.memory_space<hbm>>
        %dma_wait3A_389 = arith.constant 0 : i32
        %dma_wait3A_390 = tpu.memref_slice %arg4[%add3A_299, %dma_wait3A_389] : memref<204800x64xf32, #tpu.memory_space<hbm>> -> memref<128x64xf32, #tpu.memory_space<hbm>>
        tpu.wait_dma2 semaphore(%arg32 : memref<!tpu.dma_semaphore, #tpu.memory_space<semaphore_mem>>) src(%arg12 : memref<128x64xf32, #tpu.memory_space<vmem>>) dst(%dma_wait3A_390 : memref<128x64xf32, #tpu.memory_space<hbm>>)
        %dma_start3A_391 = arith.constant 0 : i32
        %dma_start3A_392 = tpu.memref_slice %arg5[%add3A_305, %dma_start3A_391] : memref<50x128xi32, #tpu.memory_space<vmem>> -> memref<1x128xi32, #tpu.memory_space<vmem>>
        %dma_start3A_393 = tpu.memref_squeeze %dma_start3A_392 : memref<1x128xi32, #tpu.memory_space<vmem>> -> memref<128xi32, #tpu.memory_space<vmem>>
        %dma_start3A_394 = arith.constant 0 : i32
        %dma_start3A_395 = arith.constant 0 : i32
        %dma_start3A_396 = tpu.memref_slice %arg2[%dma_start3A_394, %dma_start3A_395] : memref<1000000x64xf32, #tpu.memory_space<hbm>> -> memref<1000000x64xf32, #tpu.memory_space<hbm>>
        tpu.enqueue_indirect_dma source(%dma_start3A_396 : memref<1000000x64xf32, #tpu.memory_space<hbm>>) target(%arg12 : memref<128x64xf32, #tpu.memory_space<vmem>>) offsets(%dma_start3A_393 : memref<128xi32, #tpu.memory_space<vmem>>) semaphore(%arg22 : memref<!tpu.dma_semaphore, #tpu.memory_space<semaphore_mem>>)
      } else {
      }
      %mul3A_311 = arith.constant 10 : i32
      %mul3A_312 = arith.muli %scan3A_137, %mul3A_311 : i32
      %add3A_313 = arith.constant 7 : i32
      %add3A_314 = arith.addi %mul3A_312, %add3A_313 : i32
      %dma_wait3A_315 = arith.constant 0 : i32
      %dma_wait3A_316 = arith.constant 0 : i32
      %dma_wait3A_317 = tpu.memref_slice %arg5[%dma_wait3A_315, %dma_wait3A_316] : memref<50x128xi32, #tpu.memory_space<vmem>> -> memref<1x128xi32, #tpu.memory_space<vmem>>
      %dma_wait3A_318 = tpu.memref_squeeze %dma_wait3A_317 : memref<1x128xi32, #tpu.memory_space<vmem>> -> memref<128xi32, #tpu.memory_space<vmem>>
      %dma_wait3A_319 = arith.constant 0 : i32
      %dma_wait3A_320 = arith.constant 0 : i32
      %dma_wait3A_321 = tpu.memref_slice %arg2[%dma_wait3A_319, %dma_wait3A_320] : memref<1000000x64xf32, #tpu.memory_space<hbm>> -> memref<1000000x64xf32, #tpu.memory_space<hbm>>
      tpu.wait_indirect_dma semaphore(%arg23 : memref<!tpu.dma_semaphore, #tpu.memory_space<semaphore_mem>>) src(%dma_wait3A_321 : memref<1000000x64xf32, #tpu.memory_space<hbm>>) dst(%arg13 : memref<128x64xf32, #tpu.memory_space<vmem>>)
      %mul3A_322 = arith.constant 128 : i32
      %mul3A_323 = arith.muli %add3A_314, %mul3A_322 : i32
      %add3A_324 = arith.addi %mul3A_2, %mul3A_323 : i32
      %dma_start3A_325 = arith.constant 0 : i32
      %dma_start3A_326 = tpu.memref_slice %arg4[%add3A_324, %dma_start3A_325] : memref<204800x64xf32, #tpu.memory_space<hbm>> -> memref<128x64xf32, #tpu.memory_space<hbm>>
      %dma_start3A_327 = arith.constant 0 : i32
      %dma_start3A_328 = tpu.memref_slice %arg4[%add3A_324, %dma_start3A_327] : memref<204800x64xf32, #tpu.memory_space<hbm>> -> memref<128x64xf32, #tpu.memory_space<hbm>>
      tpu.enqueue_dma source(%arg13 : memref<128x64xf32, #tpu.memory_space<vmem>>) target(%dma_start3A_328 : memref<128x64xf32, #tpu.memory_space<hbm>>) target_semaphore(%arg33 : memref<!tpu.dma_semaphore, #tpu.memory_space<semaphore_mem>>)
      %add3A_329 = arith.constant 10 : i32
      %add3A_330 = arith.addi %add3A_314, %add3A_329 : i32
      %lt3A_331 = arith.constant 50 : i32
      %lt3A_332 = arith.cmpi slt, %add3A_330, %lt3A_331 : i32
      %convert_element_type3A_333 = arith.extui %lt3A_332 : i1 to i32
      %cond3A_334 = arith.constant 0 : i32
      %cond3A_335 = arith.cmpi ne, %convert_element_type3A_333, %cond3A_334 : i32
      scf.if %cond3A_335 {
        %dma_wait3A_387 = arith.constant 0 : i32
        %dma_wait3A_388 = tpu.memref_slice %arg4[%add3A_324, %dma_wait3A_387] : memref<204800x64xf32, #tpu.memory_space<hbm>> -> memref<128x64xf32, #tpu.memory_space<hbm>>
        %dma_wait3A_389 = arith.constant 0 : i32
        %dma_wait3A_390 = tpu.memref_slice %arg4[%add3A_324, %dma_wait3A_389] : memref<204800x64xf32, #tpu.memory_space<hbm>> -> memref<128x64xf32, #tpu.memory_space<hbm>>
        tpu.wait_dma2 semaphore(%arg33 : memref<!tpu.dma_semaphore, #tpu.memory_space<semaphore_mem>>) src(%arg13 : memref<128x64xf32, #tpu.memory_space<vmem>>) dst(%dma_wait3A_390 : memref<128x64xf32, #tpu.memory_space<hbm>>)
        %dma_start3A_391 = arith.constant 0 : i32
        %dma_start3A_392 = tpu.memref_slice %arg5[%add3A_330, %dma_start3A_391] : memref<50x128xi32, #tpu.memory_space<vmem>> -> memref<1x128xi32, #tpu.memory_space<vmem>>
        %dma_start3A_393 = tpu.memref_squeeze %dma_start3A_392 : memref<1x128xi32, #tpu.memory_space<vmem>> -> memref<128xi32, #tpu.memory_space<vmem>>
        %dma_start3A_394 = arith.constant 0 : i32
        %dma_start3A_395 = arith.constant 0 : i32
        %dma_start3A_396 = tpu.memref_slice %arg2[%dma_start3A_394, %dma_start3A_395] : memref<1000000x64xf32, #tpu.memory_space<hbm>> -> memref<1000000x64xf32, #tpu.memory_space<hbm>>
        tpu.enqueue_indirect_dma source(%dma_start3A_396 : memref<1000000x64xf32, #tpu.memory_space<hbm>>) target(%arg13 : memref<128x64xf32, #tpu.memory_space<vmem>>) offsets(%dma_start3A_393 : memref<128xi32, #tpu.memory_space<vmem>>) semaphore(%arg23 : memref<!tpu.dma_semaphore, #tpu.memory_space<semaphore_mem>>)
      } else {
      }
      %mul3A_336 = arith.constant 10 : i32
      %mul3A_337 = arith.muli %scan3A_137, %mul3A_336 : i32
      %add3A_338 = arith.constant 8 : i32
      %add3A_339 = arith.addi %mul3A_337, %add3A_338 : i32
      %dma_wait3A_340 = arith.constant 0 : i32
      %dma_wait3A_341 = arith.constant 0 : i32
      %dma_wait3A_342 = tpu.memref_slice %arg5[%dma_wait3A_340, %dma_wait3A_341] : memref<50x128xi32, #tpu.memory_space<vmem>> -> memref<1x128xi32, #tpu.memory_space<vmem>>
      %dma_wait3A_343 = tpu.memref_squeeze %dma_wait3A_342 : memref<1x128xi32, #tpu.memory_space<vmem>> -> memref<128xi32, #tpu.memory_space<vmem>>
      %dma_wait3A_344 = arith.constant 0 : i32
      %dma_wait3A_345 = arith.constant 0 : i32
      %dma_wait3A_346 = tpu.memref_slice %arg2[%dma_wait3A_344, %dma_wait3A_345] : memref<1000000x64xf32, #tpu.memory_space<hbm>> -> memref<1000000x64xf32, #tpu.memory_space<hbm>>
      tpu.wait_indirect_dma semaphore(%arg24 : memref<!tpu.dma_semaphore, #tpu.memory_space<semaphore_mem>>) src(%dma_wait3A_346 : memref<1000000x64xf32, #tpu.memory_space<hbm>>) dst(%arg14 : memref<128x64xf32, #tpu.memory_space<vmem>>)
      %mul3A_347 = arith.constant 128 : i32
      %mul3A_348 = arith.muli %add3A_339, %mul3A_347 : i32
      %add3A_349 = arith.addi %mul3A_2, %mul3A_348 : i32
      %dma_start3A_350 = arith.constant 0 : i32
      %dma_start3A_351 = tpu.memref_slice %arg4[%add3A_349, %dma_start3A_350] : memref<204800x64xf32, #tpu.memory_space<hbm>> -> memref<128x64xf32, #tpu.memory_space<hbm>>
      %dma_start3A_352 = arith.constant 0 : i32
      %dma_start3A_353 = tpu.memref_slice %arg4[%add3A_349, %dma_start3A_352] : memref<204800x64xf32, #tpu.memory_space<hbm>> -> memref<128x64xf32, #tpu.memory_space<hbm>>
      tpu.enqueue_dma source(%arg14 : memref<128x64xf32, #tpu.memory_space<vmem>>) target(%dma_start3A_353 : memref<128x64xf32, #tpu.memory_space<hbm>>) target_semaphore(%arg34 : memref<!tpu.dma_semaphore, #tpu.memory_space<semaphore_mem>>)
      %add3A_354 = arith.constant 10 : i32
      %add3A_355 = arith.addi %add3A_339, %add3A_354 : i32
      %lt3A_356 = arith.constant 50 : i32
      %lt3A_357 = arith.cmpi slt, %add3A_355, %lt3A_356 : i32
      %convert_element_type3A_358 = arith.extui %lt3A_357 : i1 to i32
      %cond3A_359 = arith.constant 0 : i32
      %cond3A_360 = arith.cmpi ne, %convert_element_type3A_358, %cond3A_359 : i32
      scf.if %cond3A_360 {
        %dma_wait3A_387 = arith.constant 0 : i32
        %dma_wait3A_388 = tpu.memref_slice %arg4[%add3A_349, %dma_wait3A_387] : memref<204800x64xf32, #tpu.memory_space<hbm>> -> memref<128x64xf32, #tpu.memory_space<hbm>>
        %dma_wait3A_389 = arith.constant 0 : i32
        %dma_wait3A_390 = tpu.memref_slice %arg4[%add3A_349, %dma_wait3A_389] : memref<204800x64xf32, #tpu.memory_space<hbm>> -> memref<128x64xf32, #tpu.memory_space<hbm>>
        tpu.wait_dma2 semaphore(%arg34 : memref<!tpu.dma_semaphore, #tpu.memory_space<semaphore_mem>>) src(%arg14 : memref<128x64xf32, #tpu.memory_space<vmem>>) dst(%dma_wait3A_390 : memref<128x64xf32, #tpu.memory_space<hbm>>)
        %dma_start3A_391 = arith.constant 0 : i32
        %dma_start3A_392 = tpu.memref_slice %arg5[%add3A_355, %dma_start3A_391] : memref<50x128xi32, #tpu.memory_space<vmem>> -> memref<1x128xi32, #tpu.memory_space<vmem>>
        %dma_start3A_393 = tpu.memref_squeeze %dma_start3A_392 : memref<1x128xi32, #tpu.memory_space<vmem>> -> memref<128xi32, #tpu.memory_space<vmem>>
        %dma_start3A_394 = arith.constant 0 : i32
        %dma_start3A_395 = arith.constant 0 : i32
        %dma_start3A_396 = tpu.memref_slice %arg2[%dma_start3A_394, %dma_start3A_395] : memref<1000000x64xf32, #tpu.memory_space<hbm>> -> memref<1000000x64xf32, #tpu.memory_space<hbm>>
        tpu.enqueue_indirect_dma source(%dma_start3A_396 : memref<1000000x64xf32, #tpu.memory_space<hbm>>) target(%arg14 : memref<128x64xf32, #tpu.memory_space<vmem>>) offsets(%dma_start3A_393 : memref<128xi32, #tpu.memory_space<vmem>>) semaphore(%arg24 : memref<!tpu.dma_semaphore, #tpu.memory_space<semaphore_mem>>)
      } else {
      }
      %mul3A_361 = arith.constant 10 : i32
      %mul3A_362 = arith.muli %scan3A_137, %mul3A_361 : i32
      %add3A_363 = arith.constant 9 : i32
      %add3A_364 = arith.addi %mul3A_362, %add3A_363 : i32
      %dma_wait3A_365 = arith.constant 0 : i32
      %dma_wait3A_366 = arith.constant 0 : i32
      %dma_wait3A_367 = tpu.memref_slice %arg5[%dma_wait3A_365, %dma_wait3A_366] : memref<50x128xi32, #tpu.memory_space<vmem>> -> memref<1x128xi32, #tpu.memory_space<vmem>>
      %dma_wait3A_368 = tpu.memref_squeeze %dma_wait3A_367 : memref<1x128xi32, #tpu.memory_space<vmem>> -> memref<128xi32, #tpu.memory_space<vmem>>
      %dma_wait3A_369 = arith.constant 0 : i32
      %dma_wait3A_370 = arith.constant 0 : i32
      %dma_wait3A_371 = tpu.memref_slice %arg2[%dma_wait3A_369, %dma_wait3A_370] : memref<1000000x64xf32, #tpu.memory_space<hbm>> -> memref<1000000x64xf32, #tpu.memory_space<hbm>>
      tpu.wait_indirect_dma semaphore(%arg25 : memref<!tpu.dma_semaphore, #tpu.memory_space<semaphore_mem>>) src(%dma_wait3A_371 : memref<1000000x64xf32, #tpu.memory_space<hbm>>) dst(%arg15 : memref<128x64xf32, #tpu.memory_space<vmem>>)
      %mul3A_372 = arith.constant 128 : i32
      %mul3A_373 = arith.muli %add3A_364, %mul3A_372 : i32
      %add3A_374 = arith.addi %mul3A_2, %mul3A_373 : i32
      %dma_start3A_375 = arith.constant 0 : i32
      %dma_start3A_376 = tpu.memref_slice %arg4[%add3A_374, %dma_start3A_375] : memref<204800x64xf32, #tpu.memory_space<hbm>> -> memref<128x64xf32, #tpu.memory_space<hbm>>
      %dma_start3A_377 = arith.constant 0 : i32
      %dma_start3A_378 = tpu.memref_slice %arg4[%add3A_374, %dma_start3A_377] : memref<204800x64xf32, #tpu.memory_space<hbm>> -> memref<128x64xf32, #tpu.memory_space<hbm>>
      tpu.enqueue_dma source(%arg15 : memref<128x64xf32, #tpu.memory_space<vmem>>) target(%dma_start3A_378 : memref<128x64xf32, #tpu.memory_space<hbm>>) target_semaphore(%arg35 : memref<!tpu.dma_semaphore, #tpu.memory_space<semaphore_mem>>)
      %add3A_379 = arith.constant 10 : i32
      %add3A_380 = arith.addi %add3A_364, %add3A_379 : i32
      %lt3A_381 = arith.constant 50 : i32
      %lt3A_382 = arith.cmpi slt, %add3A_380, %lt3A_381 : i32
      %convert_element_type3A_383 = arith.extui %lt3A_382 : i1 to i32
      %cond3A_384 = arith.constant 0 : i32
      %cond3A_385 = arith.cmpi ne, %convert_element_type3A_383, %cond3A_384 : i32
      scf.if %cond3A_385 {
        %dma_wait3A_387 = arith.constant 0 : i32
        %dma_wait3A_388 = tpu.memref_slice %arg4[%add3A_374, %dma_wait3A_387] : memref<204800x64xf32, #tpu.memory_space<hbm>> -> memref<128x64xf32, #tpu.memory_space<hbm>>
        %dma_wait3A_389 = arith.constant 0 : i32
        %dma_wait3A_390 = tpu.memref_slice %arg4[%add3A_374, %dma_wait3A_389] : memref<204800x64xf32, #tpu.memory_space<hbm>> -> memref<128x64xf32, #tpu.memory_space<hbm>>
        tpu.wait_dma2 semaphore(%arg35 : memref<!tpu.dma_semaphore, #tpu.memory_space<semaphore_mem>>) src(%arg15 : memref<128x64xf32, #tpu.memory_space<vmem>>) dst(%dma_wait3A_390 : memref<128x64xf32, #tpu.memory_space<hbm>>)
        %dma_start3A_391 = arith.constant 0 : i32
        %dma_start3A_392 = tpu.memref_slice %arg5[%add3A_380, %dma_start3A_391] : memref<50x128xi32, #tpu.memory_space<vmem>> -> memref<1x128xi32, #tpu.memory_space<vmem>>
        %dma_start3A_393 = tpu.memref_squeeze %dma_start3A_392 : memref<1x128xi32, #tpu.memory_space<vmem>> -> memref<128xi32, #tpu.memory_space<vmem>>
        %dma_start3A_394 = arith.constant 0 : i32
        %dma_start3A_395 = arith.constant 0 : i32
        %dma_start3A_396 = tpu.memref_slice %arg2[%dma_start3A_394, %dma_start3A_395] : memref<1000000x64xf32, #tpu.memory_space<hbm>> -> memref<1000000x64xf32, #tpu.memory_space<hbm>>
        tpu.enqueue_indirect_dma source(%dma_start3A_396 : memref<1000000x64xf32, #tpu.memory_space<hbm>>) target(%arg15 : memref<128x64xf32, #tpu.memory_space<vmem>>) offsets(%dma_start3A_393 : memref<128xi32, #tpu.memory_space<vmem>>) semaphore(%arg25 : memref<!tpu.dma_semaphore, #tpu.memory_space<semaphore_mem>>)
      } else {
      }
      %scan3A_386 = arith.constant 0 : i32
      scf.yield %scan3A_386 : i32
    }
    %scan3A_77 = arith.constant 5 : i32
    %add3A_78 = arith.constant 5120 : i32
    %add3A_79 = arith.addi %mul3A_2, %add3A_78 : i32
    %dma_wait3A = arith.constant 0 : i32
    %dma_wait3A_80 = tpu.memref_slice %arg4[%add3A_79, %dma_wait3A] : memref<204800x64xf32, #tpu.memory_space<hbm>> -> memref<128x64xf32, #tpu.memory_space<hbm>>
    %dma_wait3A_81 = arith.constant 0 : i32
    %dma_wait3A_82 = tpu.memref_slice %arg4[%add3A_79, %dma_wait3A_81] : memref<204800x64xf32, #tpu.memory_space<hbm>> -> memref<128x64xf32, #tpu.memory_space<hbm>>
    tpu.wait_dma2 semaphore(%arg26 : memref<!tpu.dma_semaphore, #tpu.memory_space<semaphore_mem>>) src(%arg6 : memref<128x64xf32, #tpu.memory_space<vmem>>) dst(%dma_wait3A_82 : memref<128x64xf32, #tpu.memory_space<hbm>>)
    %add3A_83 = arith.constant 5248 : i32
    %add3A_84 = arith.addi %mul3A_2, %add3A_83 : i32
    %dma_wait3A_85 = arith.constant 0 : i32
    %dma_wait3A_86 = tpu.memref_slice %arg4[%add3A_84, %dma_wait3A_85] : memref<204800x64xf32, #tpu.memory_space<hbm>> -> memref<128x64xf32, #tpu.memory_space<hbm>>
    %dma_wait3A_87 = arith.constant 0 : i32
    %dma_wait3A_88 = tpu.memref_slice %arg4[%add3A_84, %dma_wait3A_87] : memref<204800x64xf32, #tpu.memory_space<hbm>> -> memref<128x64xf32, #tpu.memory_space<hbm>>
    tpu.wait_dma2 semaphore(%arg27 : memref<!tpu.dma_semaphore, #tpu.memory_space<semaphore_mem>>) src(%arg7 : memref<128x64xf32, #tpu.memory_space<vmem>>) dst(%dma_wait3A_88 : memref<128x64xf32, #tpu.memory_space<hbm>>)
    %add3A_89 = arith.constant 5376 : i32
    %add3A_90 = arith.addi %mul3A_2, %add3A_89 : i32
    %dma_wait3A_91 = arith.constant 0 : i32
    %dma_wait3A_92 = tpu.memref_slice %arg4[%add3A_90, %dma_wait3A_91] : memref<204800x64xf32, #tpu.memory_space<hbm>> -> memref<128x64xf32, #tpu.memory_space<hbm>>
    %dma_wait3A_93 = arith.constant 0 : i32
    %dma_wait3A_94 = tpu.memref_slice %arg4[%add3A_90, %dma_wait3A_93] : memref<204800x64xf32, #tpu.memory_space<hbm>> -> memref<128x64xf32, #tpu.memory_space<hbm>>
    tpu.wait_dma2 semaphore(%arg28 : memref<!tpu.dma_semaphore, #tpu.memory_space<semaphore_mem>>) src(%arg8 : memref<128x64xf32, #tpu.memory_space<vmem>>) dst(%dma_wait3A_94 : memref<128x64xf32, #tpu.memory_space<hbm>>)
    %add3A_95 = arith.constant 5504 : i32
    %add3A_96 = arith.addi %mul3A_2, %add3A_95 : i32
    %dma_wait3A_97 = arith.constant 0 : i32
    %dma_wait3A_98 = tpu.memref_slice %arg4[%add3A_96, %dma_wait3A_97] : memref<204800x64xf32, #tpu.memory_space<hbm>> -> memref<128x64xf32, #tpu.memory_space<hbm>>
    %dma_wait3A_99 = arith.constant 0 : i32
    %dma_wait3A_100 = tpu.memref_slice %arg4[%add3A_96, %dma_wait3A_99] : memref<204800x64xf32, #tpu.memory_space<hbm>> -> memref<128x64xf32, #tpu.memory_space<hbm>>
    tpu.wait_dma2 semaphore(%arg29 : memref<!tpu.dma_semaphore, #tpu.memory_space<semaphore_mem>>) src(%arg9 : memref<128x64xf32, #tpu.memory_space<vmem>>) dst(%dma_wait3A_100 : memref<128x64xf32, #tpu.memory_space<hbm>>)
    %add3A_101 = arith.constant 5632 : i32
    %add3A_102 = arith.addi %mul3A_2, %add3A_101 : i32
    %dma_wait3A_103 = arith.constant 0 : i32
    %dma_wait3A_104 = tpu.memref_slice %arg4[%add3A_102, %dma_wait3A_103] : memref<204800x64xf32, #tpu.memory_space<hbm>> -> memref<128x64xf32, #tpu.memory_space<hbm>>
    %dma_wait3A_105 = arith.constant 0 : i32
    %dma_wait3A_106 = tpu.memref_slice %arg4[%add3A_102, %dma_wait3A_105] : memref<204800x64xf32, #tpu.memory_space<hbm>> -> memref<128x64xf32, #tpu.memory_space<hbm>>
    tpu.wait_dma2 semaphore(%arg30 : memref<!tpu.dma_semaphore, #tpu.memory_space<semaphore_mem>>) src(%arg10 : memref<128x64xf32, #tpu.memory_space<vmem>>) dst(%dma_wait3A_106 : memref<128x64xf32, #tpu.memory_space<hbm>>)
    %add3A_107 = arith.constant 5760 : i32
    %add3A_108 = arith.addi %mul3A_2, %add3A_107 : i32
    %dma_wait3A_109 = arith.constant 0 : i32
    %dma_wait3A_110 = tpu.memref_slice %arg4[%add3A_108, %dma_wait3A_109] : memref<204800x64xf32, #tpu.memory_space<hbm>> -> memref<128x64xf32, #tpu.memory_space<hbm>>
    %dma_wait3A_111 = arith.constant 0 : i32
    %dma_wait3A_112 = tpu.memref_slice %arg4[%add3A_108, %dma_wait3A_111] : memref<204800x64xf32, #tpu.memory_space<hbm>> -> memref<128x64xf32, #tpu.memory_space<hbm>>
    tpu.wait_dma2 semaphore(%arg31 : memref<!tpu.dma_semaphore, #tpu.memory_space<semaphore_mem>>) src(%arg11 : memref<128x64xf32, #tpu.memory_space<vmem>>) dst(%dma_wait3A_112 : memref<128x64xf32, #tpu.memory_space<hbm>>)
    %add3A_113 = arith.constant 5888 : i32
    %add3A_114 = arith.addi %mul3A_2, %add3A_113 : i32
    %dma_wait3A_115 = arith.constant 0 : i32
    %dma_wait3A_116 = tpu.memref_slice %arg4[%add3A_114, %dma_wait3A_115] : memref<204800x64xf32, #tpu.memory_space<hbm>> -> memref<128x64xf32, #tpu.memory_space<hbm>>
    %dma_wait3A_117 = arith.constant 0 : i32
    %dma_wait3A_118 = tpu.memref_slice %arg4[%add3A_114, %dma_wait3A_117] : memref<204800x64xf32, #tpu.memory_space<hbm>> -> memref<128x64xf32, #tpu.memory_space<hbm>>
    tpu.wait_dma2 semaphore(%arg32 : memref<!tpu.dma_semaphore, #tpu.memory_space<semaphore_mem>>) src(%arg12 : memref<128x64xf32, #tpu.memory_space<vmem>>) dst(%dma_wait3A_118 : memref<128x64xf32, #tpu.memory_space<hbm>>)
    %add3A_119 = arith.constant 6016 : i32
    %add3A_120 = arith.addi %mul3A_2, %add3A_119 : i32
    %dma_wait3A_121 = arith.constant 0 : i32
    %dma_wait3A_122 = tpu.memref_slice %arg4[%add3A_120, %dma_wait3A_121] : memref<204800x64xf32, #tpu.memory_space<hbm>> -> memref<128x64xf32, #tpu.memory_space<hbm>>
    %dma_wait3A_123 = arith.constant 0 : i32
    %dma_wait3A_124 = tpu.memref_slice %arg4[%add3A_120, %dma_wait3A_123] : memref<204800x64xf32, #tpu.memory_space<hbm>> -> memref<128x64xf32, #tpu.memory_space<hbm>>
    tpu.wait_dma2 semaphore(%arg33 : memref<!tpu.dma_semaphore, #tpu.memory_space<semaphore_mem>>) src(%arg13 : memref<128x64xf32, #tpu.memory_space<vmem>>) dst(%dma_wait3A_124 : memref<128x64xf32, #tpu.memory_space<hbm>>)
    %add3A_125 = arith.constant 6144 : i32
    %add3A_126 = arith.addi %mul3A_2, %add3A_125 : i32
    %dma_wait3A_127 = arith.constant 0 : i32
    %dma_wait3A_128 = tpu.memref_slice %arg4[%add3A_126, %dma_wait3A_127] : memref<204800x64xf32, #tpu.memory_space<hbm>> -> memref<128x64xf32, #tpu.memory_space<hbm>>
    %dma_wait3A_129 = arith.constant 0 : i32
    %dma_wait3A_130 = tpu.memref_slice %arg4[%add3A_126, %dma_wait3A_129] : memref<204800x64xf32, #tpu.memory_space<hbm>> -> memref<128x64xf32, #tpu.memory_space<hbm>>
    tpu.wait_dma2 semaphore(%arg34 : memref<!tpu.dma_semaphore, #tpu.memory_space<semaphore_mem>>) src(%arg14 : memref<128x64xf32, #tpu.memory_space<vmem>>) dst(%dma_wait3A_130 : memref<128x64xf32, #tpu.memory_space<hbm>>)
    %add3A_131 = arith.constant 6272 : i32
    %add3A_132 = arith.addi %mul3A_2, %add3A_131 : i32
    %dma_wait3A_133 = arith.constant 0 : i32
    %dma_wait3A_134 = tpu.memref_slice %arg4[%add3A_132, %dma_wait3A_133] : memref<204800x64xf32, #tpu.memory_space<hbm>> -> memref<128x64xf32, #tpu.memory_space<hbm>>
    %dma_wait3A_135 = arith.constant 0 : i32
    %dma_wait3A_136 = tpu.memref_slice %arg4[%add3A_132, %dma_wait3A_135] : memref<204800x64xf32, #tpu.memory_space<hbm>> -> memref<128x64xf32, #tpu.memory_space<hbm>>
    tpu.wait_dma2 semaphore(%arg35 : memref<!tpu.dma_semaphore, #tpu.memory_space<semaphore_mem>>) src(%arg15 : memref<128x64xf32, #tpu.memory_space<vmem>>) dst(%dma_wait3A_136 : memref<128x64xf32, #tpu.memory_space<hbm>>)
    return
  }
}

module attributes {stable_mosaic.version = 14 : i64} {
  func.func @body(%arg0: i32, %arg1: memref<64x200x64xf32, #tpu.memory_space<vmem>>, %arg2: memref<64x200xi32, #tpu.memory_space<vmem>>, %arg3: memref<1x1xf32, #tpu.memory_space<vmem>>) attributes {dimension_semantics = [#tpu.dimension_semantics<arbitrary>], iteration_bounds = array<i64: 16>, scalar_prefetch = 0 : i64, scratch_operands = 0 : i64, tpu.core_type = #tpu.core_type<tc>, window_params = [{transform_indices = @transform_0, window_bounds = array<i64: 64, 200, 64>}, {transform_indices = @transform_1, window_bounds = array<i64: 64, 200>}, {pipeline_mode = #tpu.pipeline_mode<synchronous>, transform_indices = @transform_2, window_bounds = array<i64: 1, 1>}]} {
    %eq3A = arith.constant 0 : i32
    %eq3A_0 = arith.cmpi eq, %arg0, %eq3A : i32
    %convert_element_type3A = arith.extui %eq3A_0 : i1 to i32
    %cond3A = arith.constant 0 : i32
    %cond3A_1 = arith.cmpi ne, %convert_element_type3A, %cond3A : i32
    scf.if %cond3A_1 {
      %broadcast_in_dim3A_29 = arith.constant 0.000000e+00 : f32
      %broadcast_in_dim3A_30 = vector.broadcast %broadcast_in_dim3A_29 : f32 to vector<1x1xf32>
      %swap3A_31 = arith.constant 0 : index
      %swap3A_32 = arith.constant 0 : index
      %swap3A_33 = vector.load %arg3[%swap3A_31, %swap3A_32] : memref<1x1xf32, #tpu.memory_space<vmem>>, vector<1x1xf32>
      tpu.vector_store %arg3[%swap3A_31, %swap3A_32], %broadcast_in_dim3A_30 {strides = array<i32>} : memref<1x1xf32, #tpu.memory_space<vmem>>, vector<1x1xf32>,
    } else {
    }
    %get3A = arith.constant 0 : index
    %get3A_2 = arith.constant 0 : index
    %get3A_3 = arith.constant 0 : index
    %get3A_4 = vector.load %arg1[%get3A, %get3A_2, %get3A_3] : memref<64x200x64xf32, #tpu.memory_space<vmem>>, vector<64x200x64xf32>
    %get3A_5 = arith.constant 0 : index
    %get3A_6 = arith.constant 0 : index
    %get3A_7 = vector.load %arg2[%get3A_5, %get3A_6] : memref<64x200xi32, #tpu.memory_space<vmem>>, vector<64x200xi32>
    %reduce_max3A = arith.constant dense<0xFF800000> : vector<64x200xf32>
    %reduce_max3A_8 = vector.multi_reduction <maximumf>, %get3A_4, %reduce_max3A [2] : vector<64x200x64xf32> to vector<64x200xf32>
    %broadcast_in_dim3A = vector.shape_cast %reduce_max3A_8 : vector<64x200xf32> to vector<64x200x1xf32>
    %sub3A = vector.broadcast %broadcast_in_dim3A : vector<64x200x1xf32> to vector<64x200x64xf32>
    %sub3A_9 = arith.subf %get3A_4, %sub3A : vector<64x200x64xf32>
    %exp3A = math.exp %sub3A_9 : vector<64x200x64xf32>
    %reduce_sum3A = arith.constant dense<0.000000e+00> : vector<64x200xf32>
    %reduce_sum3A_10 = vector.multi_reduction <add>, %exp3A, %reduce_sum3A [2] : vector<64x200x64xf32> to vector<64x200xf32>
    %log3A = math.log %reduce_sum3A_10 : vector<64x200xf32>
    %squeeze3A = vector.shape_cast %broadcast_in_dim3A : vector<64x200x1xf32> to vector<64x200xf32>
    %add3A = arith.addf %log3A, %squeeze3A : vector<64x200xf32>
    %iota3A = tpu.iota {dimensions = array<i32: 2>} : vector<64x200x64xi32>
    %broadcast_in_dim3A_11 = vector.shape_cast %get3A_7 : vector<64x200xi32> to vector<64x200x1xi32>
    %eq3A_12 = vector.broadcast %broadcast_in_dim3A_11 : vector<64x200x1xi32> to vector<64x200x64xi32>
    %eq3A_13 = arith.cmpi eq, %iota3A, %eq3A_12 : vector<64x200x64xi32>
    %jit3A = arith.constant 0.000000e+00 : f32
    %broadcast_in_dim3A_14 = vector.broadcast %jit3A : f32 to vector<64x200x64xf32>
    %select_n3A = arith.select %eq3A_13, %get3A_4, %broadcast_in_dim3A_14 : vector<64x200x64xi1>, vector<64x200x64xf32>
    %reduce_sum3A_15 = arith.constant dense<0.000000e+00> : vector<64x200xf32>
    %reduce_sum3A_16 = vector.multi_reduction <add>, %select_n3A, %reduce_sum3A_15 [2] : vector<64x200x64xf32> to vector<64x200xf32>
    %get3A_17 = arith.constant 0 : index
    %get3A_18 = arith.constant 0 : index
    %get3A_19 = vector.load %arg3[%get3A_17, %get3A_18] : memref<1x1xf32, #tpu.memory_space<vmem>>, vector<1x1xf32>
    %sub3A_20 = arith.subf %add3A, %reduce_sum3A_16 : vector<64x200xf32>
    %reduce_sum3A_21 = vector.shape_cast %sub3A_20 : vector<64x200xf32> to vector<1x64x200xf32>
    %reduce_sum3A_22 = arith.constant dense<0.000000e+00> : vector<1xf32>
    %reduce_sum3A_23 = vector.multi_reduction <add>, %reduce_sum3A_21, %reduce_sum3A_22 [1, 2] : vector<1x64x200xf32> to vector<1xf32>
    %reduce_sum3A_24 = vector.shape_cast %reduce_sum3A_23 : vector<1xf32> to vector<1x1x1xf32>
    %reduce_sum3A_25 = vector.extract %reduce_sum3A_24[0, 0, 0] : f32 from vector<1x1x1xf32>
    %reshape3A = vector.broadcast %reduce_sum3A_25 : f32 to vector<1x1xf32>
    %add3A_26 = arith.addf %get3A_19, %reshape3A : vector<1x1xf32>
    %swap3A = arith.constant 0 : index
    %swap3A_27 = arith.constant 0 : index
    %swap3A_28 = vector.load %arg3[%swap3A, %swap3A_27] : memref<1x1xf32, #tpu.memory_space<vmem>>, vector<1x1xf32>
    tpu.vector_store %arg3[%swap3A, %swap3A_27], %add3A_26 {strides = array<i32>} : memref<1x1xf32, #tpu.memory_space<vmem>>, vector<1x1xf32>,
    return
  }
  func.func @transform_0(%arg0: i32) -> (i32, i32, i32) {
    %c0_i32 = arith.constant 0 : i32
    %c0_i32_0 = arith.constant 0 : i32
    %c0_i32_1 = arith.constant 0 : i32
    return %arg0, %c0_i32, %c0_i32_0 : i32, i32, i32
  }
  func.func @transform_1(%arg0: i32) -> (i32, i32) {
    %c0_i32 = arith.constant 0 : i32
    %c0_i32_0 = arith.constant 0 : i32
    return %arg0, %c0_i32 : i32, i32
  }
  func.func @transform_2(%arg0: i32) -> (i32, i32) {
    %c0_i32 = arith.constant 0 : i32
    %c0_i32_0 = arith.constant 0 : i32
    %c0_i32_1 = arith.constant 0 : i32
    return %c0_i32, %c0_i32_0 : i32, i32
  }
}

</mosaic_0001>

<sc_bundles>
// kernel: kernel.4.cloned.1.call-start
scs
__scs_entry_jumppad:
0x0: {  	(pc) =	sbr.rel $0x88, $3  }
0x1: {  	(tag) =	ssettag $0x0;
	lr =	simm.s32 $0x1  }
0x2: {  	[smem:$0x3F9E] =	sst lr;
	_ =	strace $0xD0000000  }
0x3: {  	_ = 	snop  }
0x4: {  	_ = 	snop  }
0x5: {  	_ = 	snop  }
0x6: {  	_ = 	snop  }
0x7: {  	_ = 	snop  }
__scs_overlays_trampoline_lowered:
0x8: {  	[smem:$0x3FAD] =	sst s0  }
0x9: {  	[smem:$0x3FAE] =	sst s1  }
0xa: {  	[smem:$0x3FAF] =	sst s2  }
0xb: {  	[smem:$0x3FB0] =	sst s3  }
0xc: {  	[smem:$0x3FB1] =	sst s4  }
0xd: {  	[smem:$0x3FB2] =	sst s5  }
0xe: {  	[smem:$0x3FB3] =	sst s6  }
0xf: {  	[smem:$0x3FB4] =	sst s7  }
0x10: {  	[smem:$0x3FB5] =	sst s8  }
0x11: {  	[smem:$0x3FB6] =	sst s9;
	s0 =	simm.s32 @!p0 $0x0  }
0x12: {  	s1 =	sld [smem:$0x3F9C];
	s0 =	simm.s32 @p0 $0x1  }
0x13: {  	[smem:$0x3FB7] =	sst s0;
	s0 =	simm.s32 @!p1 $0x0  }
0x14: {  	s2 =	sld [smem:$0x3F9B];
	s0 =	simm.s32 @p1 $0x1  }
0x15: {  	[smem:$0x3FB8] =	sst s0;
	s0 =	simm.s32 @!p2 $0x0  }
0x16: {  	s3 =	sld [smem:$0x3FDB];
	s0 =	simm.s32 @p2 $0x1  }
0x17: {  	s4 =	simm.s32 $0x1BF5;
	[smem:$0x3FBA] =	sst s0  }
0x18: {  	s0 =	sld [smem:$0x3F9D];
	_ =	swait.ge [sflag:s4], $0x0  }
0x19: {  	s7 =	sld [smem:$0x3F9E]  }
0x1a: {  	s8 =	sadd.s32 $0xFFFFE003, lr  }
0x1b: {  	s9 =	sadd.s32 $0xFFFFFEF7, lr;
	s5 =	simm.s32 $0xFFFFFFFF;
	p2 =	slt.u32 s8, $0xFFFFF086  }
0x1c: {  	p1 =	slt.u32 s9, $0xF7A;
	s5 =	simm.s32 @!p2 $0x0  }
0x1d: {  	s5 =	simm.s32 @p1 $0x1;
	p0 =	seq.s32 s7, s2  }
0x1e: {  	s7 =	smul.u32 @!p0 $0xF7A, s2;
	p2 =	seq.s32 @!p0 s5, $0x0  }
0x1f: {  	s9 =	smul.u32 $0xF7A, s1;
	s8 =	simm.s32 @!p0 $0x1BF5;
	p2 =	por !p2, p0  }
0x20: {  	[sflag:s8] =	ssyncset.s32 @!p0 $0xFFFFF086;
	s6 =	sadd.s32 @!p0 s3, s7;
	s7 =	simm.s32 @!p0 $0x108  }
0x21: {  	s3 =	sadd.s32 s3, s9;
	s6 =	sadd.s32 @!p0 $0x88, s6;
	s7 =	simm.s32 @p2 $0x1082  }
0x22: {  	[simem:s7], [sflag:s8] =	dma.local @!p0 [hbm:s6], $0xF7A  }
0x23: {  	s9 =	sor.u32 $0xD0000000, s2;
	s6 =	simm.s32 $0x108;
	_ =	swait.ge @!p0 [sflag:s8], $0x0  }
0x24: {  	s3 =	sadd.s32 $0x88, s3;
	s6 =	simm.s32 @!p1 $0x1082;
	[sflag:s4] =	ssyncset.s32 $0xFFFFF086  }
0x25: {  	[simem:s6], [sflag:s4] =	dma.local [hbm:s3], $0xF7A  }
0x26: {  	[smem:$0x3F9E] =	sst s1;
	(tag) =	ssettag s2;
	_ =	strace s9  }
0x27: {  	s1 =	sld [smem:$0x3FAE]  }
0x28: {  	s2 =	sld [smem:$0x3FAF]  }
0x29: {  	s4 =	sld [smem:$0x3FB1]  }
0x2a: {  	p0 =	seq.s32 s5, $0x0;
	s5 =	sld [smem:$0x3FB2]  }
0x2b: {  	s6 =	sld [smem:$0x3FB3]  }
0x2c: {  	s7 =	sld [smem:$0x3FB4]  }
0x2d: {  	s3 =	simm.s32 $0x108;
	s8 =	sld [smem:$0x3FB5]  }
0x2e: {  	s3 =	simm.s32 @!p0 $0x1082;
	s9 =	sld [smem:$0x3FB6]  }
0x2f: {  	lr =	sadd.s32 s0, s3;
	s0 =	sld [smem:$0x3FAD]  }
0x30: {  	s3 =	sld [smem:$0x3FB0]  }
0x31: {  	[smem:$0x3FB9] =	sst s10  }
0x32: {  	s10 =	sld [smem:$0x3FB7];
	_ =	sdelay $0x3  }
0x33: {  	p0 =	seq.s32 s10, $0x1;
	s10 =	sld [smem:$0x3FB9];
	_ =	sdelay $0x3  }
0x34: {  	[smem:$0x3FB9] =	sst s10  }
0x35: {  	s10 =	sld [smem:$0x3FB8];
	_ =	sdelay $0x3  }
0x36: {  	p1 =	seq.s32 s10, $0x1;
	s10 =	sld [smem:$0x3FB9];
	_ =	sdelay $0x3  }
0x37: {  	[smem:$0x3FB9] =	sst s10  }
0x38: {  	s10 =	sld [smem:$0x3FBA]  }
0x39: {  	_ = 	snop;
	(pc) =	sbr.ind lr, $3  }
0x3a: {  	_ = 	snop  }
0x3b: {  	_ = 	snop  }
0x3c: {  	p2 =	seq.s32 s10, $0x1;
	s10 =	sld [smem:$0x3FB9]  }
0x3d: {  	_ =	shalt  }
0x3e: {  	_ =	shalt  }
0x3f: {  	_ =	shalt  }
0x40: {  	_ =	shalt  }
0x41: {  	_ =	shalt  }
0x42: {  	_ =	shalt  }
0x43: {  	_ =	shalt  }
0x44: {  	_ =	shalt  }
0x45: {  	_ =	shalt  }
0x46: {  	_ =	shalt  }
0x47: {  	_ =	shalt  }
0x48: {  	_ =	shalt  }
0x49: {  	_ =	shalt  }
0x4a: {  	_ =	shalt  }
0x4b: {  	_ =	shalt  }
0x4c: {  	_ =	shalt  }
0x4d: {  	_ =	shalt  }
0x4e: {  	_ =	shalt  }
0x4f: {  	_ =	shalt  }
0x50: {  	_ =	shalt  }
0x51: {  	_ =	shalt  }
0x52: {  	_ =	shalt  }
0x53: {  	_ =	shalt  }
0x54: {  	_ =	shalt  }
0x55: {  	_ =	shalt  }
0x56: {  	_ =	shalt  }
0x57: {  	_ =	shalt  }
0x58: {  	_ =	shalt  }
0x59: {  	_ =	shalt  }
0x5a: {  	_ =	shalt  }
0x5b: {  	_ =	shalt  }
0x5c: {  	_ =	shalt  }
0x5d: {  	_ =	shalt  }
0x5e: {  	_ =	shalt  }
0x5f: {  	_ =	shalt  }
0x60: {  	_ =	shalt  }
0x61: {  	_ =	shalt  }
0x62: {  	_ =	shalt  }
0x63: {  	_ =	shalt  }
0x64: {  	_ =	shalt  }
0x65: {  	_ =	shalt  }
0x66: {  	_ =	shalt  }
0x67: {  	_ =	shalt  }
0x68: {  	_ =	shalt  }
0x69: {  	_ =	shalt  }
0x6a: {  	_ =	shalt  }
0x6b: {  	_ =	shalt  }
0x6c: {  	_ =	shalt  }
0x6d: {  	_ =	shalt  }
0x6e: {  	_ =	shalt  }
0x6f: {  	_ =	shalt  }
0x70: {  	_ =	shalt  }
0x71: {  	_ =	shalt  }
0x72: {  	_ =	shalt  }
0x73: {  	_ =	shalt  }
0x74: {  	_ =	shalt  }
0x75: {  	_ =	shalt  }
0x76: {  	_ =	shalt  }
0x77: {  	_ =	shalt  }
0x78: {  	_ =	shalt  }
0x79: {  	_ =	shalt  }
0x7a: {  	_ =	shalt  }
0x7b: {  	_ =	shalt  }
0x7c: {  	_ =	shalt  }
0x7d: {  	_ =	shalt  }
0x7e: {  	_ =	shalt  }
0x7f: {  	_ =	shalt  }
0x80: {  	_ =	shalt  }
0x81: {  	_ =	shalt  }
0x82: {  	_ =	shalt  }
0x83: {  	_ =	shalt  }
0x84: {  	_ =	shalt  }
0x85: {  	_ =	shalt  }
0x86: {  	_ =	shalt  }
0x87: {  	_ =	shalt  }
.Lfunc_end0:
.L_simem_size_0:
called_computation.1_lowered:
.L_overlay_start_0:
0x88: {  	s2 =	sld [smem:$0x3FD9]  }
0x89: {  	s3 =	sld [smem:$0x3FFE];
	_ =	sdelay $0x1  }
0x8a: {  	s1 =	srdreg.scid  }
0x8b: {  	s0 =	sand.u32 $0x1, s1  }
0x8c: {  	s14 =	sshll.u32 s0, $0xA;
	s2 =	sadd.s32 s3, s2  }
0x8d: {  	s2 =	sadd.s32 s2, s14  }
0x8e: {  	[smem:$0x3FC5] =	sst s2  }
0x8f: {  	_ = 	snop  }
0x90: {  	s2 =	sld [smem:$0x3FD0];
	_ =	sdelay $0x2  }
0x91: {  	s15 =	simm.s32 $0xA;
	s4 =	simm.s32 $0x10  }
0x92: {  	[smem:s4], [sflag:s15] =	dma.local [hbm:s2], $0x1  }
0x93: {  	_ =	swait.eq [sflag:s15], $0x1  }
0x94: {  	[sflag:s15] =	ssyncset.done $0x0  }
0x95: {  	[sflag:s15] =	ssyncadd.s32 $0xFFFFFFFF  }
0x96: {  	s16 =	sld [smem:$0x10];
	(tm) =	ssettm $0x1  }
0x97: {  	s17 =	sld [smem:$0x3FFB];
	_ =	sdelay $0x3  }
0x98: {  	_ =	strace s17  }
0x99: {  	s3 =	sld [smem:$0x3FFC];
	_ =	sdelay $0x3  }
0x9a: {  	_ =	strace s3  }
0x9b: {  	s3 =	sld [smem:$0x3FFD];
	_ =	sdelay $0x3  }
0x9c: {  	_ =	strace s3  }
0x9d: {  	_ =	strace $0x8FFFFFFF  }
0x9e: {  	s18 =	sld [smem:$0x3FDB];
	_ =	sdelay $0x1  }
0x9f: {  	s19 =	simm.s32 $_scs_section_size  }
0xa0: {  	s5 =	simm.s32 $_size__tile_overlayer_lowered;
	s6 =	simm.s32 $_tile_overlayer_lowered  }
0xa1: {  	s22 =	simm.s32 $0x1BFF;
	s21 =	sshll.u32 s6, $0x1;
	s3 =	sadd.s32 s19, s18  }
0xa2: {  	s7 =	simm.s32 $0x0;
	s20 =	sshll.u32 s5, $0x1;
	s5 =	sadd.s32 s21, s3  }
0xa3: {  	[timem:s7], [sflag:s22] =	dma.local [hbm:s5], s20  }
0xa4: {  	_ =	swait.ge [sflag:s22], s20  }
0xa5: {  	s4 =	ssub.s32 $0x0, s20;
	[sflag:s22] =	ssyncset.done $0x0  }
0xa6: {  	[sflag:s22] =	ssyncadd.s32 s4;
	_ =	sdelay $0x1  }
0xa7: {  	s23 =	simm.s32 $0x1B8B  }
0xa8: {  	_ =	swait.ge [sflag:s23], $0x1  }
0xa9: {  	[sflag:s23] =	ssyncset.done $0x0  }
0xaa: {  	s25 =	simm.s32 $0x1B8E;
	s24 =	sld [smem:$0x3FFE];
	[sflag:s23] =	ssyncadd.s32 $0xFFFFFFFF  }
0xab: {  	s26 =	simm.s32 $execute0_lowered;
	[smem:$0x3FD2] =	sst s25  }
0xac: {  	s5 =	sshll.u32 s26, $0x1;
	_ =	strace $0x80000046;
	[dreg:$0x1] =	wrdreg $0xFFFFFFFF  }
0xad: {  	s28 =	simm.s32 $_size_execute0_lowered;
	s3 =	sadd.s32 s3, s5;
	[dreg:$0x0] =	wrdreg $0x0  }
0xae: {  	s5 =	sshll.u32 s28, $0x1;
	[dreg:$0x2] =	wrdreg s3  }
0xaf: {  	[dreg:$0x3] =	wrdreg s5  }
0xb0: {  	[dreg:$0x4] =	wrdreg $0xC0  }
0xb1: {  	_ =	task [dreg:s7], $0x5FFFF  }
0xb2: {  	[dreg:$0x1] =	wrdreg $0xFFFFFFFF  }
0xb3: {  	[dreg:$0x0] =	wrdreg $0x60  }
0xb4: {  	[dreg:$0x2] =	wrdreg s24  }
0xb5: {  	[dreg:$0x3] =	wrdreg s16  }
0xb6: {  	[dreg:$0x4] =	wrdreg $0x9  }
0xb7: {  	_ =	task.clear_ibuf [dreg:s7], $0x5FFFF;
	_ =	strace $0x90000046  }
0xb8: {  	s29 =	simm.s32 $0x9;
	_ =	strace $0x80000048  }
0xb9: {  	_ =	swait.ge [sflag:s29], $0x1  }
0xba: {  	[sflag:s29] =	ssyncadd.s32 $0xFFFFFFFF  }
0xbb: {  	_ =	strace $0x90000048  }
0xbc: {  	_ =	sfence  }
0xbd: {  	s30 =	sld [smem:$0x0];
	_ =	sdelay $0x2  }
0xbe: {  	s31 =	sshll.u32 s1, $0xD;
	s1 =	sshrl.u32 s1, $0x2  }
0xbf: {  	s3 =	sand.u32 $0x4000, s31;
	s1 =	sadd.s32 s1, s30  }
0xc0: {  	s0 =	sor.u32 s3, s0;
	s1 =	sshll.u32 s1, $0x11  }
0xc1: {  	s0 =	sor.u32 s1, s0  }
0xc2: {  	s0 =	sadd.s32 $0x8F2B, s0  }
0xc3: {  	[sflag:s0] =	ssyncadd.remote.s32 $0x1  }
0xc4: {  	_ =	sfence.sel $0xFFFF  }
0xc5: {  	[dreg:$0x0] =	wrdreg $0xFFFFFFFF;
	(pc) =	sbr.abs _section_cstart, $3  }
0xc6: {  	[dreg:$0x1] =	wrdreg $0xFFFFFFFF  }
0xc7: {  	_ =	task.clear_ibuf [dreg:s7], $0x2FFFF;
	_ =	strace $0x9FFFFFFF  }
0xc8: {  	(tm) =	ssettm $0x7FFFFFFF  }
0xc9: {  	_ =	shalt  }
tec
execute0_lowered:
.L_overlay_start_1:
0x0: {  	(tag) =	ssettag $0x1  }
0x1: {  	s0 =	srdreg.scid  }
0x2: {  	s11 =	stileid.u32;
	s1 =	rddreg [dreg:$0x0]  }
0x3: {  	s3 =	simm.s32 $0x0;
	s18 =	simm.s32 $0x80;
	s25 =	simm.s32 $0x13900  }
0x4: {  	s28 =	simm.s32 $0x1;
	s30 =	simm.s32 $0x2;
	s23 =	simm.s32 $0x5  }
0x5: {  	s17 =	simm.s32 $0x8;
	s19 =	simm.s32 $0x9;
	s20 =	simm.s32 $0xA  }
0x6: {  	s22 =	simm.s32 $0x14;
	s21 =	simm.s32 $0x0;
	s5 =	smul.u32 $0x3200, s11  }
0x7: {  	s0 =	sand.u32 $0x1, s0;
	s2 =	sshll.u32 s11, $0x1;
	s31 =	smul.u32 $0x19000, s11  }
0x8: {  	[smem:$0x7FF] =	sst s3;
	s4 =	sadd.s32 $0xF43000, s1;
	s6 =	smul.u32 $0x1900, s0  }
0x9: {  	s2 =	sor.u32 s0, s2;
	s7 =	ssub.s32 $0x2, s0;
	s0 =	smul.u32 $0xC800, s0  }
0xa: {  	_ =	strace $0x80000047;
	s2 =	smul.u32 $0x1900, s2;
	s26 =	sshrl.u32 s7, $0x1  }
0xb: {  	s5 =	sadd.s32 s6, s5;
	s16 =	sadd.s32 s0, s31;
	s6 =	simm.s32 $0x7  }
0xc: {  	s2 =	sshrl.u32 s2, $0x3;
	s29 =	sshll.u32 s5, $0x3;
	s5 =	simm.s32 $0x6  }
0xd: {  	s1 =	sadd.s32 s2, s1;
	s2 =	ssub.s32 s7, s26;
	s7 =	sadd.s32 $0x2400, s29  }
.Ltmp0:
0xe: {  	s8 =	sadd.s32 $0x2000, s29;
	s9 =	sadd.s32 $0x1C00, s29;
	(pc) =	sbr.rel .LBB2_1-.Ltmp0, $4  }
0xf: {  	s10 =	sadd.s32 $0x1800, s29;
	s11 =	sadd.s32 $0x1400, s29;
	s12 =	sadd.s32 $0x1000, s29  }
0x10: {  	s13 =	sadd.s32 $0xC00, s29;
	s14 =	sadd.s32 $0x800, s29;
	s1 =	sadd.s32 $0xC00, s1  }
0x11: {  	s15 =	sor.u32 $0x400, s29;
	s2 =	smax.u32 s2, $0x1;
	[dreg:$0x3] =	wrdreg s1  }
0x12: {  	[dreg:$0x4] =	wrdreg s2;
	s1 =	simm.s32 $0x3;
	s2 =	simm.s32 $0x4  }
.LBB2_4:
0x13: {  	s0 =	simm.s32 $0xB  }
0x14: {  	_ =	swait.ge [sflag:s0], $0x2000  }
0x15: {  	[sflag:s0] =	ssyncset.done $0x0  }
0x16: {  	s24 =	simm.s32 $0xC;
	[sflag:s0] =	ssyncadd.s32 $0xFFFFE000  }
0x17: {  	_ =	swait.ge [sflag:s24], $0x2000  }
0x18: {  	[sflag:s24] =	ssyncset.done $0x0  }
0x19: {  	s26 =	simm.s32 $0xD;
	[sflag:s24] =	ssyncadd.s32 $0xFFFFE000  }
0x1a: {  	_ =	swait.ge [sflag:s26], $0x2000  }
0x1b: {  	[sflag:s26] =	ssyncset.done $0x0  }
0x1c: {  	s29 =	simm.s32 $0xE;
	[sflag:s26] =	ssyncadd.s32 $0xFFFFE000  }
0x1d: {  	_ =	swait.ge [sflag:s29], $0x2000  }
0x1e: {  	[sflag:s29] =	ssyncset.done $0x0  }
0x1f: {  	s31 =	simm.s32 $0xF;
	[sflag:s29] =	ssyncadd.s32 $0xFFFFE000  }
0x20: {  	_ =	swait.ge [sflag:s31], $0x2000  }
0x21: {  	[sflag:s31] =	ssyncset.done $0x0  }
0x22: {  	s21 =	simm.s32 $0x10;
	[sflag:s31] =	ssyncadd.s32 $0xFFFFE000  }
0x23: {  	_ =	swait.ge [sflag:s21], $0x2000  }
0x24: {  	[sflag:s21] =	ssyncset.done $0x0  }
0x25: {  	s24 =	simm.s32 $0x11;
	[sflag:s21] =	ssyncadd.s32 $0xFFFFE000  }
0x26: {  	_ =	swait.ge [sflag:s24], $0x2000  }
0x27: {  	[sflag:s24] =	ssyncset.done $0x0  }
0x28: {  	s26 =	simm.s32 $0x12;
	[sflag:s24] =	ssyncadd.s32 $0xFFFFE000  }
0x29: {  	_ =	swait.ge [sflag:s26], $0x2000  }
0x2a: {  	[sflag:s26] =	ssyncset.done $0x0  }
0x2b: {  	s29 =	simm.s32 $0x13;
	[sflag:s26] =	ssyncadd.s32 $0xFFFFE000  }
0x2c: {  	_ =	swait.ge [sflag:s29], $0x2000  }
0x2d: {  	[sflag:s29] =	ssyncset.done $0x0  }
0x2e: {  	[sflag:s29] =	ssyncadd.s32 $0xFFFFE000  }
0x2f: {  	_ =	swait.ge [sflag:s22], $0x2000  }
0x30: {  	s21 =	rddreg [dreg:$0x5]  }
0x31: {  	s31 =	rddreg [dreg:$0x4];
	s21 =	sadd.s32 $0x1, s21  }
0x32: {  	p0 =	sne.s32 s21, s31  }
.Ltmp1:
0x33: {  	_ = 	snop;
	(pc) =	sbr.rel @!p0 .LBB2_5-.Ltmp1, $3  }
0x34: {  	_ =	sdelay $0x1  }
0x35: {  	[sflag:s22] =	ssyncset.done $0x0  }
0x36: {  	[sflag:s22] =	ssyncadd.s32 $0xFFFFE000  }
.LBB2_1:
0x37: {  	[dreg:$0x5] =	wrdreg s21  }
0x38: {  	s0 =	rddreg [dreg:$0x3];
	s21 =	simm.s32 $0x15  }
0x39: {  	[tilespmem:s3], [sflag:$0x15] =	stream.linear.gather [hbm4b:s0+s3], $0x1900, $0x38;
	[tilespmem:$0x15900] =	vst v63  }
0x3a: {  	_ =	swait.ge [sflag:s21], $0x1900  }
0x3b: {  	[sflag:s21] =	ssyncset.done $0x0  }
0x3c: {  	s24 =	simm.s32 $0x1900;
	[sflag:s21] =	ssyncadd.s32 $0xFFFFE700  }
0x3d: {  	[tilespmem:s24], [sflag:$0x1] =	stream.indirect.gather [hbm4b:s4+s18], $0x40, s3, s18, $0xb8;
	[tilespmem:$0x15900] =	vst v63  }
0x3e: {  	s26 =	simm.s32 $0x3900  }
0x3f: {  	[tilespmem:s26], [sflag:$0x2] =	stream.indirect.gather [hbm4b:s4+s18], $0x40, s18, s18, $0xb8;
	[tilespmem:$0x15900] =	vst v63  }
0x40: {  	s29 =	simm.s32 $0x100;
	s31 =	simm.s32 $0x5900  }
0x41: {  	[tilespmem:s31], [sflag:$0x3] =	stream.indirect.gather [hbm4b:s4+s18], $0x40, s29, s18, $0xb8;
	[tilespmem:$0x15900] =	vst v63  }
0x42: {  	s24 =	simm.s32 $0x180;
	s26 =	simm.s32 $0x7900  }
0x43: {  	[tilespmem:s26], [sflag:$0x4] =	stream.indirect.gather [hbm4b:s4+s18], $0x40, s24, s18, $0xb8;
	[tilespmem:$0x15900] =	vst v63  }
0x44: {  	s29 =	simm.s32 $0x200;
	s31 =	simm.s32 $0x9900  }
0x45: {  	[tilespmem:s31], [sflag:$0x5] =	stream.indirect.gather [hbm4b:s4+s18], $0x40, s29, s18, $0xb8;
	[tilespmem:$0x15900] =	vst v63  }
0x46: {  	s24 =	simm.s32 $0x280;
	s26 =	simm.s32 $0xB900  }
0x47: {  	[tilespmem:s26], [sflag:$0x6] =	stream.indirect.gather [hbm4b:s4+s18], $0x40, s24, s18, $0xb8;
	[tilespmem:$0x15900] =	vst v63  }
0x48: {  	s29 =	simm.s32 $0x300;
	s31 =	simm.s32 $0xD900  }
0x49: {  	[tilespmem:s31], [sflag:$0x7] =	stream.indirect.gather [hbm4b:s4+s18], $0x40, s29, s18, $0xb8;
	[tilespmem:$0x15900] =	vst v63  }
0x4a: {  	s21 =	simm.s32 $0x380;
	s24 =	simm.s32 $0xF900  }
0x4b: {  	[tilespmem:s24], [sflag:$0x8] =	stream.indirect.gather [hbm4b:s4+s18], $0x40, s21, s18, $0xb8;
	[tilespmem:$0x15900] =	vst v63  }
0x4c: {  	s26 =	simm.s32 $0x400;
	s29 =	simm.s32 $0x11900  }
0x4d: {  	[tilespmem:s29], [sflag:$0x9] =	stream.indirect.gather [hbm4b:s4+s18], $0x40, s26, s18, $0xb8;
	[tilespmem:$0x15900] =	vst v63  }
0x4e: {  	s31 =	simm.s32 $0x480;
	s24 =	rddreg [dreg:$0x1];
	s26 =	simm.s32 $0x0  }
0x4f: {  	[tilespmem:s25], [sflag:$0xA] =	stream.indirect.gather [hbm4b:s4+s18], $0x40, s31, s18, $0xb8;
	[tilespmem:$0x15900] =	vst v63  }
.LBB2_2:
0x50: {  	_ =	swait.ge [sflag:s28], $0x2000  }
0x51: {  	s29 =	sadd.s32 s24, s16;
	[sflag:s28] =	ssyncset.done $0x0  }
0x52: {  	s0 =	simm.s32 $0x1900;
	p0 =	seq.s32 s26, $0x5000;
	[sflag:s28] =	ssyncadd.s32 $0xFFFFE000  }
0x53: {  	[hbm4b:s29+s3] =	stream.linear.scatter [tilespmem:s0], [sflag:$0xB], $0x2000, $0x38;
	[tilespmem:$0x15900] =	vst v63  }
0x54: {  	s29 =	simm.s32 @!p0 $0xB  }
0x55: {  	_ =	swait.ge @!p0 [sflag:s29], $0x2000  }
0x56: {  	[sflag:s29] =	ssyncset.done @!p0 $0x0  }
0x57: {  	[sflag:s29] =	ssyncadd.s32 @!p0 $0xFFFFE000;
	s29 =	sshra.s32 @!p0 s26, $0x2  }
0x58: {  	s31 =	simm.s32 @!p0 $0x80;
	s21 =	simm.s32 @!p0 $0x1900;
	s0 =	sadd.s32 @!p0 $0x500, s29  }
0x59: {  	[tilespmem:s21], [sflag:$0x1] =	stream.indirect.gather @!p0 [hbm4b:s4+s31], $0x40, s0, s31, $0xb8;
	[tilespmem:$0x15900] =	vst v63  }
0x5a: {  	_ =	swait.ge [sflag:s30], $0x2000  }
0x5b: {  	[sflag:s30] =	ssyncset.done $0x0  }
0x5c: {  	s0 =	sadd.s32 s24, s15;
	s21 =	simm.s32 $0x3900;
	[sflag:s30] =	ssyncadd.s32 $0xFFFFE000  }
0x5d: {  	[hbm4b:s0+s3] =	stream.linear.scatter [tilespmem:s21], [sflag:$0xC], $0x2000, $0x38;
	[tilespmem:$0x15900] =	vst v63  }
0x5e: {  	s0 =	simm.s32 @!p0 $0xC  }
0x5f: {  	_ =	swait.ge @!p0 [sflag:s0], $0x2000  }
0x60: {  	[sflag:s0] =	ssyncset.done @!p0 $0x0  }
0x61: {  	s21 =	simm.s32 @!p0 $0x3900;
	[sflag:s0] =	ssyncadd.s32 @!p0 $0xFFFFE000;
	s0 =	sadd.s32 @!p0 $0x580, s29  }
0x62: {  	[tilespmem:s21], [sflag:$0x2] =	stream.indirect.gather @!p0 [hbm4b:s4+s31], $0x40, s0, s31, $0xb8;
	[tilespmem:$0x15900] =	vst v63  }
0x63: {  	_ =	swait.ge [sflag:s1], $0x2000  }
0x64: {  	[sflag:s1] =	ssyncset.done $0x0  }
0x65: {  	s0 =	sadd.s32 s24, s14;
	s21 =	simm.s32 $0x5900;
	[sflag:s1] =	ssyncadd.s32 $0xFFFFE000  }
0x66: {  	[hbm4b:s0+s3] =	stream.linear.scatter [tilespmem:s21], [sflag:$0xD], $0x2000, $0x38;
	[tilespmem:$0x15900] =	vst v63  }
0x67: {  	s0 =	simm.s32 @!p0 $0xD  }
0x68: {  	_ =	swait.ge @!p0 [sflag:s0], $0x2000  }
0x69: {  	[sflag:s0] =	ssyncset.done @!p0 $0x0  }
0x6a: {  	s21 =	simm.s32 @!p0 $0x5900;
	[sflag:s0] =	ssyncadd.s32 @!p0 $0xFFFFE000;
	s0 =	sadd.s32 @!p0 $0x600, s29  }
0x6b: {  	[tilespmem:s21], [sflag:$0x3] =	stream.indirect.gather @!p0 [hbm4b:s4+s31], $0x40, s0, s31, $0xb8;
	[tilespmem:$0x15900] =	vst v63  }
0x6c: {  	_ =	swait.ge [sflag:s2], $0x2000  }
0x6d: {  	[sflag:s2] =	ssyncset.done $0x0  }
0x6e: {  	s0 =	sadd.s32 s24, s13;
	s21 =	simm.s32 $0x7900;
	[sflag:s2] =	ssyncadd.s32 $0xFFFFE000  }
0x6f: {  	[hbm4b:s0+s3] =	stream.linear.scatter [tilespmem:s21], [sflag:$0xE], $0x2000, $0x38;
	[tilespmem:$0x15900] =	vst v63  }
0x70: {  	s0 =	simm.s32 @!p0 $0xE  }
0x71: {  	_ =	swait.ge @!p0 [sflag:s0], $0x2000  }
0x72: {  	[sflag:s0] =	ssyncset.done @!p0 $0x0  }
0x73: {  	s21 =	simm.s32 @!p0 $0x7900;
	[sflag:s0] =	ssyncadd.s32 @!p0 $0xFFFFE000;
	s0 =	sadd.s32 @!p0 $0x680, s29  }
0x74: {  	[tilespmem:s21], [sflag:$0x4] =	stream.indirect.gather @!p0 [hbm4b:s4+s31], $0x40, s0, s31, $0xb8;
	[tilespmem:$0x15900] =	vst v63  }
0x75: {  	_ =	swait.ge [sflag:s23], $0x2000  }
0x76: {  	[sflag:s23] =	ssyncset.done $0x0  }
0x77: {  	s0 =	sadd.s32 s24, s12;
	s21 =	simm.s32 $0x9900;
	[sflag:s23] =	ssyncadd.s32 $0xFFFFE000  }
0x78: {  	[hbm4b:s0+s3] =	stream.linear.scatter [tilespmem:s21], [sflag:$0xF], $0x2000, $0x38;
	[tilespmem:$0x15900] =	vst v63  }
0x79: {  	s0 =	simm.s32 @!p0 $0xF  }
0x7a: {  	_ =	swait.ge @!p0 [sflag:s0], $0x2000  }
0x7b: {  	[sflag:s0] =	ssyncset.done @!p0 $0x0  }
0x7c: {  	s21 =	simm.s32 @!p0 $0x9900;
	[sflag:s0] =	ssyncadd.s32 @!p0 $0xFFFFE000;
	s0 =	sadd.s32 @!p0 $0x700, s29  }
0x7d: {  	[tilespmem:s21], [sflag:$0x5] =	stream.indirect.gather @!p0 [hbm4b:s4+s31], $0x40, s0, s31, $0xb8;
	[tilespmem:$0x15900] =	vst v63  }
0x7e: {  	_ =	swait.ge [sflag:s5], $0x2000  }
0x7f: {  	[sflag:s5] =	ssyncset.done $0x0  }
0x80: {  	s0 =	sadd.s32 s24, s11;
	s21 =	simm.s32 $0xB900;
	[sflag:s5] =	ssyncadd.s32 $0xFFFFE000  }
0x81: {  	[hbm4b:s0+s3] =	stream.linear.scatter [tilespmem:s21], [sflag:$0x10], $0x2000, $0x38;
	[tilespmem:$0x15900] =	vst v63  }
0x82: {  	s0 =	simm.s32 @!p0 $0x10  }
0x83: {  	_ =	swait.ge @!p0 [sflag:s0], $0x2000  }
0x84: {  	[sflag:s0] =	ssyncset.done @!p0 $0x0  }
0x85: {  	s21 =	simm.s32 @!p0 $0xB900;
	[sflag:s0] =	ssyncadd.s32 @!p0 $0xFFFFE000;
	s0 =	sadd.s32 @!p0 $0x780, s29  }
0x86: {  	[tilespmem:s21], [sflag:$0x6] =	stream.indirect.gather @!p0 [hbm4b:s4+s31], $0x40, s0, s31, $0xb8;
	[tilespmem:$0x15900] =	vst v63  }
0x87: {  	_ =	swait.ge [sflag:s6], $0x2000  }
0x88: {  	[sflag:s6] =	ssyncset.done $0x0  }
0x89: {  	s0 =	sadd.s32 s24, s10;
	s21 =	simm.s32 $0xD900;
	[sflag:s6] =	ssyncadd.s32 $0xFFFFE000  }
0x8a: {  	[hbm4b:s0+s3] =	stream.linear.scatter [tilespmem:s21], [sflag:$0x11], $0x2000, $0x38;
	[tilespmem:$0x15900] =	vst v63  }
0x8b: {  	s0 =	simm.s32 @!p0 $0x11  }
0x8c: {  	_ =	swait.ge @!p0 [sflag:s0], $0x2000  }
0x8d: {  	[sflag:s0] =	ssyncset.done @!p0 $0x0  }
0x8e: {  	s21 =	simm.s32 @!p0 $0xD900;
	[sflag:s0] =	ssyncadd.s32 @!p0 $0xFFFFE000;
	s0 =	sadd.s32 @!p0 $0x800, s29  }
0x8f: {  	[tilespmem:s21], [sflag:$0x7] =	stream.indirect.gather @!p0 [hbm4b:s4+s31], $0x40, s0, s31, $0xb8;
	[tilespmem:$0x15900] =	vst v63  }
0x90: {  	_ =	swait.ge [sflag:s17], $0x2000  }
0x91: {  	[sflag:s17] =	ssyncset.done $0x0  }
0x92: {  	s0 =	sadd.s32 s24, s9;
	s21 =	simm.s32 $0xF900;
	[sflag:s17] =	ssyncadd.s32 $0xFFFFE000  }
0x93: {  	[hbm4b:s0+s3] =	stream.linear.scatter [tilespmem:s21], [sflag:$0x12], $0x2000, $0x38;
	[tilespmem:$0x15900] =	vst v63  }
0x94: {  	s0 =	simm.s32 @!p0 $0x12  }
0x95: {  	_ =	swait.ge @!p0 [sflag:s0], $0x2000  }
0x96: {  	[sflag:s0] =	ssyncset.done @!p0 $0x0  }
0x97: {  	s21 =	simm.s32 @!p0 $0xF900;
	[sflag:s0] =	ssyncadd.s32 @!p0 $0xFFFFE000;
	s0 =	sadd.s32 @!p0 $0x880, s29  }
0x98: {  	[tilespmem:s21], [sflag:$0x8] =	stream.indirect.gather @!p0 [hbm4b:s4+s31], $0x40, s0, s31, $0xb8;
	[tilespmem:$0x15900] =	vst v63  }
0x99: {  	_ =	swait.ge [sflag:s19], $0x2000  }
0x9a: {  	[sflag:s19] =	ssyncset.done $0x0  }
0x9b: {  	s0 =	sadd.s32 s24, s8;
	s21 =	simm.s32 $0x11900;
	[sflag:s19] =	ssyncadd.s32 $0xFFFFE000  }
0x9c: {  	[hbm4b:s0+s3] =	stream.linear.scatter [tilespmem:s21], [sflag:$0x13], $0x2000, $0x38;
	[tilespmem:$0x15900] =	vst v63  }
0x9d: {  	s0 =	simm.s32 @!p0 $0x13  }
0x9e: {  	_ =	swait.ge @!p0 [sflag:s0], $0x2000  }
0x9f: {  	[sflag:s0] =	ssyncset.done @!p0 $0x0  }
0xa0: {  	s21 =	simm.s32 @!p0 $0x11900;
	[sflag:s0] =	ssyncadd.s32 @!p0 $0xFFFFE000;
	s0 =	sadd.s32 @!p0 $0x900, s29  }
0xa1: {  	[tilespmem:s21], [sflag:$0x9] =	stream.indirect.gather @!p0 [hbm4b:s4+s31], $0x40, s0, s31, $0xb8;
	[tilespmem:$0x15900] =	vst v63  }
.Ltmp2:
0xa2: {  	_ = 	snop;
	(pc) =	sbr.rel @p0 .LBB2_4-.Ltmp2, $4  }
0xa3: {  	_ =	swait.ge [sflag:s20], $0x2000  }
0xa4: {  	[sflag:s20] =	ssyncset.done $0x0  }
0xa5: {  	s31 =	sadd.s32 s24, s7;
	[sflag:s20] =	ssyncadd.s32 $0xFFFFE000  }
0xa6: {  	[hbm4b:s31+s3] =	stream.linear.scatter [tilespmem:s25], [sflag:$0x14], $0x2000, $0x38;
	[tilespmem:$0x15900] =	vst v63  }
.Ltmp3:
0xa7: {  	(pc) =	sbr.rel .LBB2_2-.Ltmp3, $4  }
0xa8: {  	_ =	swait.ge [sflag:s22], $0x2000  }
0xa9: {  	s0 =	sshra.s32 s26, $0x2;
	s26 =	sadd.s32 $0x1400, s26;
	[sflag:s22] =	ssyncset.done $0x0  }
0xaa: {  	s24 =	sadd.s32 $0x2800, s24;
	s0 =	sadd.s32 $0x980, s0;
	[sflag:s22] =	ssyncadd.s32 $0xFFFFE000  }
0xab: {  	[tilespmem:s25], [sflag:$0xA] =	stream.indirect.gather [hbm4b:s4+s18], $0x40, s0, s18, $0xb8;
	[tilespmem:$0x15900] =	vst v63  }
.LBB2_5:
0xac: {  	_ =	sfence.sel $0x180000  }
0xad: {  	[bflag:$0x0] =	sbarrier.arrive $0xFFFF  }
0xae: {  	_ =	strace $0x90000047  }
0xaf: {  	s0 =	stileid.u32;
	[bflag:$0x2] =	sbarrier.arrive $0xFFFF  }
0xb0: {  	p0 =	sne.s32 s0, $0x0;
	s0 =	rddreg [dreg:$0x2]  }
0xb1: {  	s0 =	sadd.s32 @!p0 $0x100000, s0  }
0xb2: {  	[sflag:s0] =	ssyncadd.tile.s32 @!p0 $0x1;
	_ =	shalt  }
.Lfunc_end2:
_tile_overlayer_lowered:
.L_overlay_start_2:
0xb3: {  	(tag) =	ssettag $0x2  }
0xb4: {  	s0 =	rddreg [dreg:$0x0];
	s2 =	stileid.u32  }
0xb5: {  	s1 =	rddreg [dreg:$0x1];
	p0 =	sne.s32 s2, $0x0  }
0xb6: {  	s3 =	rddreg [dreg:$0x2];
	[bflag:$0x3] =	sbarrier.arrive $0xFFFF;
	s2 =	simm.s32 @!p0 $0x1C15  }
0xb7: {  	[timem:s3], [sflag:s2] =	dma.local @!p0 [hbm:s0], s1  }
0xb8: {  	s0 =	simm.s32 @!p0 $0x15  }
0xb9: {  	_ =	swait.ge @!p0 [sflag:s0], s1  }
0xba: {  	s1 =	ssub.s32 @!p0 $0x0, s1;
	[sflag:s0] =	ssyncset.done @!p0 $0x0  }
0xbb: {  	[sflag:s0] =	ssyncadd.s32 @!p0 s1  }
0xbc: {  	[bflag:$0x3] =	sbarrier.arrive $0xFFFF  }
0xbd: {  	_ =	shalt  }

// kernel: sparse-core-data-format-call.cloned.1.call-start
scs
called_computation_lowered:
.L_overlay_start_0:
0x0: {  	s2 =	sld [smem:$0x3FD9]  }
0x1: {  	s3 =	sld [smem:$0x3FFE];
	_ =	sdelay $0x1  }
0x2: {  	s1 =	srdreg.scid  }
0x3: {  	s0 =	sand.u32 $0x1, s1  }
0x4: {  	s15 =	sshll.u32 s0, $0xA;
	s2 =	sadd.s32 s3, s2  }
0x5: {  	s2 =	sadd.s32 s2, s15  }
0x6: {  	[smem:$0x3FC5] =	sst s2  }
0x7: {  	_ = 	snop  }
0x8: {  	s2 =	sld [smem:$0x3FD0];
	_ =	sdelay $0x2  }
0x9: {  	s16 =	simm.s32 $0xA;
	s4 =	simm.s32 $0x10  }
0xa: {  	[smem:s4], [sflag:s16] =	dma.local [hbm:s2], $0x1  }
0xb: {  	_ =	swait.eq [sflag:s16], $0x1  }
0xc: {  	[sflag:s16] =	ssyncset.done $0x0  }
0xd: {  	[sflag:s16] =	ssyncadd.s32 $0xFFFFFFFF  }
0xe: {  	s17 =	sld [smem:$0x10];
	(tm) =	ssettm $0x1  }
0xf: {  	s18 =	sld [smem:$0x3FFB];
	_ =	sdelay $0x3  }
0x10: {  	_ =	strace s18  }
0x11: {  	s3 =	sld [smem:$0x3FFC];
	_ =	sdelay $0x3  }
0x12: {  	_ =	strace s3  }
0x13: {  	s3 =	sld [smem:$0x3FFD];
	_ =	sdelay $0x3  }
0x14: {  	_ =	strace s3  }
0x15: {  	_ =	strace $0x8FFFFFFF  }
0x16: {  	s19 =	sld [smem:$0x3FDB];
	_ =	sdelay $0x1  }
0x17: {  	s20 =	simm.s32 $_scs_section_size  }
0x18: {  	s5 =	simm.s32 $_size__tile_overlayer_lowered;
	s6 =	simm.s32 $_tile_overlayer_lowered  }
0x19: {  	s23 =	simm.s32 $0x1BFF;
	s22 =	sshll.u32 s6, $0x1;
	s3 =	sadd.s32 s20, s19  }
0x1a: {  	s7 =	simm.s32 $0x0;
	s21 =	sshll.u32 s5, $0x1;
	s5 =	sadd.s32 s22, s3  }
0x1b: {  	[timem:s7], [sflag:s23] =	dma.local [hbm:s5], s21  }
0x1c: {  	_ =	swait.ge [sflag:s23], s21  }
0x1d: {  	s4 =	ssub.s32 $0x0, s21;
	[sflag:s23] =	ssyncset.done $0x0  }
0x1e: {  	[sflag:s23] =	ssyncadd.s32 s4;
	_ =	sdelay $0x1  }
0x1f: {  	s24 =	simm.s32 $0x1B8B  }
0x20: {  	_ =	swait.ge [sflag:s24], $0x1  }
0x21: {  	[sflag:s24] =	ssyncset.done $0x0  }
0x22: {  	s26 =	simm.s32 $0x1B8E;
	s25 =	sld [smem:$0x3FFE];
	[sflag:s24] =	ssyncadd.s32 $0xFFFFFFFF  }
0x23: {  	s27 =	simm.s32 $execute0_lowered;
	[smem:$0x3FD2] =	sst s26  }
0x24: {  	s5 =	sshll.u32 s27, $0x1;
	_ =	strace $0x80000049;
	[dreg:$0x1] =	wrdreg $0xFFFFFFFF  }
0x25: {  	s28 =	simm.s32 $_size_execute0_lowered;
	s3 =	sadd.s32 s3, s5;
	[dreg:$0x0] =	wrdreg $0x0  }
0x26: {  	s5 =	sshll.u32 s28, $0x1;
	[dreg:$0x2] =	wrdreg s3  }
0x27: {  	[dreg:$0x3] =	wrdreg s5  }
0x28: {  	[dreg:$0x4] =	wrdreg $0xC0  }
0x29: {  	_ =	task [dreg:s7], $0x5FFFF  }
0x2a: {  	[dreg:$0x1] =	wrdreg $0xFFFFFFFF  }
0x2b: {  	[dreg:$0x0] =	wrdreg $0x60  }
0x2c: {  	[dreg:$0x2] =	wrdreg s25  }
0x2d: {  	[dreg:$0x3] =	wrdreg s17  }
0x2e: {  	[dreg:$0x4] =	wrdreg $0x9  }
0x2f: {  	_ =	task.clear_ibuf [dreg:s7], $0x5FFFF;
	_ =	strace $0x90000049  }
0x30: {  	s29 =	simm.s32 $0x9;
	_ =	strace $0x8000004B  }
0x31: {  	_ =	swait.ge [sflag:s29], $0x1  }
0x32: {  	[sflag:s29] =	ssyncadd.s32 $0xFFFFFFFF  }
0x33: {  	_ =	strace $0x9000004B  }
0x34: {  	_ =	sfence  }
0x35: {  	s30 =	sld [smem:$0x0];
	_ =	sdelay $0x2  }
0x36: {  	s31 =	sshll.u32 s1, $0xD;
	s1 =	sshrl.u32 s1, $0x2  }
0x37: {  	s3 =	sand.u32 $0x4000, s31;
	s1 =	sadd.s32 s1, s30  }
0x38: {  	s0 =	sor.u32 s3, s0;
	s1 =	sshll.u32 s1, $0x11  }
0x39: {  	s0 =	sor.u32 s1, s0  }
0x3a: {  	s0 =	sadd.s32 $0x8F2B, s0  }
0x3b: {  	[sflag:s0] =	ssyncadd.remote.s32 $0x1  }
0x3c: {  	_ =	sfence.sel $0xFFFF  }
0x3d: {  	[dreg:$0x0] =	wrdreg $0xFFFFFFFF;
	(pc) =	sbr.abs _section_cstart, $3  }
0x3e: {  	[dreg:$0x1] =	wrdreg $0xFFFFFFFF  }
0x3f: {  	_ =	task.clear_ibuf [dreg:s7], $0x2FFFF;
	_ =	strace $0x9FFFFFFF  }
0x40: {  	(tm) =	ssettm $0x7FFFFFFF  }
0x41: {  	_ =	shalt  }
tec
execute0_lowered:
.L_overlay_start_1:
0x0: {  	(tag) =	ssettag $0x1  }
0x1: {  	s0 =	stileid.u32;
	s6 =	rddreg [dreg:$0x0]  }
0x2: {  	s2 =	rddreg [dreg:$0x1];
	s5 =	srdreg.scid  }
0x3: {  	s31 =	simm.s32 $0x2;
	s13 =	simm.s32 $0x0;
	s1 =	sshll.u32 s0, $0x7  }
0x4: {  	s14 =	simm.s32 $0x0;
	s12 =	simm.s32 $0x0;
	s3 =	sand.u32 $0x380, s1  }
0x5: {  	s5 =	sshll.u32 s5, $0x4;
	s6 =	sadd.s32 $0xC00, s6;
	s4 =	ssub.s32 $0x400, s3  }
0x6: {  	s1 =	rddreg [dreg:$0x2];
	_ =	strace $0x8000004A;
	s7 =	sand.u32 $0x380, s4  }
0x7: {  	s5 =	sand.u32 $0x10, s5;
	p0 =	sne.s32 s7, $0x0;
	s7 =	simm.s32 $0x1  }
.Ltmp0:
0x8: {  	s8 =	sshrl.u32 s4, $0xA;
	s7 =	simm.s32 @!p0 $0x0;
	(pc) =	sbr.rel .LBB1_1-.Ltmp0, $4  }
0x9: {  	s9 =	sor.u32 s0, s5;
	s4 =	simm.s32 $0x1;
	s30 =	sadd.s32 s7, s8  }
0xa: {  	s11 =	smov.u32 s3;
	[sflag:s4] =	ssyncpa.u1 $0x0;
	s5 =	smul.u32 $0x32, s30  }
0xb: {  	[sflag:s31] =	ssyncpa.u1 $0x0;
	p0 =	por $0x0, $0x0;
	s7 =	sshrl.u32 s9, $0x3  }
0xc: {  	s9 =	simm.s32 $0x2000;
	s10 =	smov.u32 s7;
	s8 =	sor.u32 $0x1, s5  }
.LBB1_4:
0xd: {  	s17 =	sand.u32 $0x1F80, s14;
	s13 =	sshll.u32 s13, $0xD  }
0xe: {  	[tilespmem:s16+$0x810 ss:$0x81] =	vst.msk $0xffff, v2;
	s18 =	sshrl.u32 s14, $0x3;
	s31 =	sand.u32 $0x7, s14;
	s17 =	sadd.s32 s2, s17  }
0xf: {  	[tilespmem:s16+$0x1020 ss:$0x81] =	vst.msk $0xffff, v0;
	s18 =	sand.u32 $0xF, s18;
	s14 =	sshll.u32 s31, $0x12;
	s13 =	sadd.s32 s13, s17  }
0x10: {  	[tilespmem:s16+$0x0 ss:$0x81] =	vst.msk $0xffff, v1;
	s14 =	sor.u32 $0x400, s14;
	s13 =	sadd.s32 s18, s13  }
0x11: {  	[hbm4b:s13+s14] =	stream.strided.scatter [tilespmem:s15], [sflag:$0x2], $0x2000, s9, s14, $0x20;
	[tilespmem:$0x8080] =	vst v63  }
.LBB1_5:
0x12: {  	s15 =	sadd.s32 $0x4, s10  }
0x13: {  	s13 =	sadd.s32 $0x400, s11;
	s17 =	smov.u32 s11;
	p2 =	sgt.s32 s15, $0xC7  }
0x14: {  	s17 =	smov.u32 @p2 s13  }
0x15: {  	s15 =	smov.u32 @p2 s7;
	p2 =	sgt.s32 s17, $0x3FF  }
0x16: {  	s17 =	smov.u32 @p2 s3;
	p2 =	sne.s32 s12, s8  }
.Ltmp1:
0x17: {  	p1 =	slt.u32 s12, $0x2;
	(pc) =	sbr.rel @!p2 .LBB1_6-.Ltmp1, $4  }
0x18: {  	s16 =	simm.s32 @!p1 $0x2  }
0x19: {  	s14 =	smov.u32 s11;
	p0 =	por !p0, !p0;
	_ =	swait.ge @!p1 [sflag:s16], $0x2000  }
0x1a: {  	s13 =	smov.u32 s10;
	[sflag:s16] =	ssyncset.done @!p1 $0x0;
	s10 =	smov.u32 s15  }
0x1b: {  	s12 =	sadd.s32 $0x1, s12;
	[sflag:s16] =	ssyncadd.s32 @!p1 $0xFFFFE000;
	s11 =	smov.u32 s17  }
.LBB1_1:
0x1c: {  	p1 =	sge.u32 s12, s5  }
0x1d: {  	s15 =	sand.u32 @!p1 $0x1FFFFFF, s10  }
0x1e: {  	s16 =	smulhi.u32 @!p1 $0x147AE15, s15;
	_ =	sdelay $0x1  }
0x1f: {  	s16 =	smul.u32 @!p1 $0xC8, s16  }
0x20: {  	s17 =	sxor.u32 @!p1 $0xFFFFFFFF, s12;
	s18 =	smul.u32 @!p1 $0xC80, s11  }
0x21: {  	s31 =	sadd.s32 $0xFFFFFFFF, s12;
	s17 =	sshll.u32 @!p1 s17, $0xD;
	s15 =	ssub.s32 @!p1 s15, s16  }
0x22: {  	s16 =	sand.u32 @!p1 $0x2000, s17;
	s17 =	sadd.s32 @!p1 s6, s18;
	s15 =	sshll.u32 @!p1 s15, $0x4  }
0x23: {  	s18 =	simm.s32 @!p1 $0x6400;
	s15 =	sadd.s32 @!p1 s15, s17;
	s17 =	simm.s32 @!p1 $0x40  }
0x24: {  	[tilespmem:s16], [sflag:$0x1] =	stream.strided.gather @!p1 [hbm4b:s15+s17], $0x2000, s18, s17, $0x38;
	[tilespmem:$0x8080] =	vst v63  }
0x25: {  	p1 =	sge.u32 s31, s5  }
.Ltmp2:
0x26: {  	_ = 	snop;
	(pc) =	sbr.rel @p1 .LBB1_5-.Ltmp2, $1  }
0x27: {  	_ =	sdelay $0x3  }
0x28: {  	s15 =	simm.s32 $0x1  }
0x29: {  	_ =	swait.ge [sflag:s4], $0x2000;
	s15 =	simm.s32 @!p0 $0x0  }
0x2a: {  	[sflag:s4] =	ssyncset.done $0x0;
	s16 =	sshll.u32 s15, $0xD  }
0x2b: {  	[sflag:s4] =	ssyncadd.s32 $0xFFFFE000;
	s19 =	sor.u32 $0x20, s16  }
0x2c: {  	s15 =	smul.u32 $0x8100, s15;
	v3 =	vld [tilespmem:s19+$0x10]  }
0x2d: {  	s30 =	sand.u32 $0x1, s12;
	v2 =	vld [tilespmem:s19+$0xFFFFFFF0]  }
0x2e: {  	s16 =	smul.u32 $0x8100, s30;
	s15 =	sshrl.u32 s15, $0x2;
	v0 =	vld [tilespmem:s19+$0x0]  }
0x2f: {  	v1 =	vld [tilespmem:s19+$0xFFFFFFE0];
	s17 =	sor.u32 $0x4000, s15  }
0x30: {  	s31 =	sshrl.u32 s16, $0x2;
	s16 =	sadd.s32 $0x0, s17  }
0x31: {  	s18 =	simm.s32 $0x4;
	s19 =	sadd.s32 $0x40, s19;
	s15 =	sor.u32 $0x4000, s31;
	[tilespmem:s16+$0x1830 ss:$0x81] =	vst.msk $0xffff, v3  }
.LBB1_3:
0x32: {  	v3 =	vld [tilespmem:s19+$0x10];
	p1 =	sne.s32 s18, $0x1FC;
	[tilespmem:s16+$0x810 ss:$0x81] =	vst.msk $0xffff, v2;
	s20 =	smov.u32 s18;
	s18 =	sadd.s32 $0x4, s18  }
.Ltmp3:
0x33: {  	v2 =	vld [tilespmem:s19+$0xFFFFFFF0];
	[tilespmem:s16+$0x1020 ss:$0x81] =	vst.msk $0xffff, v0;
	(pc) =	sbr.rel @p1 .LBB1_3-.Ltmp3, $4  }
0x34: {  	v0 =	vld [tilespmem:s19+$0x0];
	[tilespmem:s16+$0x0 ss:$0x81] =	vst.msk $0xffff, v1  }
0x35: {  	s16 =	sshra.s32 s20, $0x2;
	v1 =	vld [tilespmem:s19+$0xFFFFFFE0]  }
0x36: {  	s16 =	sadd.s32 s16, s17  }
0x37: {  	s19 =	sadd.s32 $0x40, s19;
	[tilespmem:s16+$0x1830 ss:$0x81] =	vst.msk $0xffff, v3  }
.Ltmp4:
0x38: {  	_ = 	snop;
	(pc) =	sbr.rel .LBB1_4-.Ltmp4, $1  }
0x39: {  	_ =	sdelay $0x3  }
.LBB1_6:
0x3a: {  	_ =	sfence.sel $0x180000  }
0x3b: {  	s2 =	simm.s32 $0x1;
	[bflag:$0x0] =	sbarrier.arrive $0xFFFF  }
0x3c: {  	s31 =	simm.s32 $0x2;
	[sflag:s2] =	ssyncpa.u1 $0x1  }
0x3d: {  	[sflag:s31] =	ssyncpa.u1 $0x1  }
0x3e: {  	p0 =	sne.s32 s0, $0x0;
	_ =	strace $0x9000004A  }
0x3f: {  	s0 =	sadd.s32 @!p0 $0x100000, s1;
	[bflag:$0x2] =	sbarrier.arrive $0xFFFF  }
0x40: {  	[sflag:s0] =	ssyncadd.tile.s32 @!p0 $0x1;
	_ =	shalt  }
.Lfunc_end1:
_tile_overlayer_lowered:
.L_overlay_start_2:
0x41: {  	(tag) =	ssettag $0x2  }
0x42: {  	s0 =	rddreg [dreg:$0x0];
	s2 =	stileid.u32  }
0x43: {  	s1 =	rddreg [dreg:$0x1];
	p0 =	sne.s32 s2, $0x0  }
0x44: {  	s3 =	rddreg [dreg:$0x2];
	[bflag:$0x3] =	sbarrier.arrive $0xFFFF;
	s2 =	simm.s32 @!p0 $0x1C01  }
0x45: {  	[timem:s3], [sflag:s2] =	dma.local @!p0 [hbm:s0], s1  }
0x46: {  	s0 =	simm.s32 @!p0 $0x1  }
0x47: {  	_ =	swait.ge @!p0 [sflag:s0], s1  }
0x48: {  	s1 =	ssub.s32 @!p0 $0x0, s1;
	[sflag:s0] =	ssyncset.done @!p0 $0x0  }
0x49: {  	[sflag:s0] =	ssyncadd.s32 @!p0 s1  }
0x4a: {  	[bflag:$0x3] =	sbarrier.arrive $0xFFFF  }
0x4b: {  	_ =	shalt  }

</sc_bundles>
